<compile_context>
chip_gen: v7x
topology: tpu7x:2x2x1
jax: 0.10.2.dev20260603
libtpu: 0.0.44.dev20260713+nightly
codegen_flags: <defaults>
</compile_context>

<pallas_src>
import functools

import jax
import jax.numpy as jnp
from jax import lax
from jax.experimental import pallas as pl
from jax.experimental.pallas import tpu as pltpu
from jax.experimental.pallas import tpu_sc as plsc

N = 10000
E = 320000
D_IN = 128
D_H = 128
D_Z = 64

NC = 2
NS = 16
NW = NC * NS
EPW = E // NW
NP_ROWS = 640

_mesh = plsc.VectorSubcoreMesh(core_axis_name="c", subcore_axis_name="s")
_sc_params = pltpu.CompilerParams(needs_layout_passes=False,
                                  use_tc_tiling_on_sc=False)


NPAD = NP_ROWS * 16


_C = 80
_NCH = EPW // _C


@functools.partial(
    pl.kernel,
    mesh=_mesh,
    out_type=jax.ShapeDtypeStruct((NW * NPAD,), jnp.float32),
    compiler_params=_sc_params,
    scratch_types=[
        pltpu.VMEM((_NCH, _C), jnp.int32),
        pltpu.VMEM((NPAD,), jnp.float32),
    ],
)
def _deg_kernel(e3_hbm, out_hbm, idxbuf, hist):
    cid = lax.axis_index("c")
    sid = lax.axis_index("s")
    wid = cid * NS + sid
    zero16 = jnp.zeros((16,), jnp.float32)
    ones16 = jnp.ones((16,), jnp.float32)

    def zh(r, carry):
        hist[pl.ds(r * 16, 16)] = zero16
        return carry

    lax.fori_loop(0, NPAD // 16, zh, 0)

    pltpu.sync_copy(e3_hbm.at[1, pl.ds(wid * _NCH, _NCH)], idxbuf)

    def hb(r, carry):
        for k in range(_C // 16):
            v = idxbuf[r, pl.ds(k * 16, 16)]
            plsc.addupdate_scatter(hist, [v], ones16)
        return carry

    lax.fori_loop(0, _NCH, hb, 0)
    pltpu.sync_copy(hist, out_hbm.at[pl.ds(wid * NPAD, NPAD)])


def _make_scatter(D, nbuf):
    C, nch = _C, _NCH
    rpt = 624

    @functools.partial(
        pl.kernel,
        mesh=_mesh,
        out_type=jax.ShapeDtypeStruct((NC, N, D), jnp.float32),
        compiler_params=_sc_params,
        scratch_types=[
            pltpu.VMEM((nch, C), jnp.int32),
            pltpu.VMEM((nch, C), jnp.int32),
            pltpu.VMEM((nbuf, C, D), jnp.float32),
            pltpu.VMEM_SHARED((N, D), jnp.float32),
            [pltpu.SemaphoreType.DMA] * nbuf,
        ],
    )
    def _scatter(y_hbm, e3_hbm, zeros_hbm, out_hbm,
                 srcb, dstb, rows, acc, gsems):
        cid = lax.axis_index("c")
        sid = lax.axis_index("s")
        wid = cid * NS + sid
        ytab = y_hbm

        pltpu.sync_copy(zeros_hbm.at[pl.ds(0, rpt)], acc.at[pl.ds(sid * rpt, rpt)])

        @pl.when(sid == NS - 1)
        def _init_tail():
            pltpu.sync_copy(zeros_hbm.at[pl.ds(0, N - NS * rpt)],
                            acc.at[pl.ds(NS * rpt, N - NS * rpt)])

        pltpu.sync_copy(e3_hbm.at[0, pl.ds(wid * nch, nch)], srcb)
        pltpu.sync_copy(e3_hbm.at[1, pl.ds(wid * nch, nch)], dstb)
        plsc.subcore_barrier()

        for b in range(nbuf):
            pltpu.async_copy(ytab.at[srcb.at[b]], rows.at[b], gsems[b])

        def _step(c, b):
            pltpu.make_async_copy(ytab.at[srcb.at[c]], rows.at[b],
                                  gsems[b]).wait()
            pltpu.sync_copy(rows.at[b], acc.at[dstb.at[c]], add=True)

        def body(g, carry):
            for b in range(nbuf):
                c = g * nbuf + b
                _step(c, b)

                @pl.when(c + nbuf < nch)
                def _refill():
                    pltpu.async_copy(ytab.at[srcb.at[c + nbuf]], rows.at[b],
                                     gsems[b])
            return carry

        lax.fori_loop(0, nch // nbuf, body, 0)
        for c in range((nch // nbuf) * nbuf, nch):
            _step(c, c % nbuf)

        plsc.subcore_barrier()
        pltpu.sync_copy(acc.at[pl.ds(sid * rpt, rpt)],
                        out_hbm.at[cid, pl.ds(sid * rpt, rpt)])

        @pl.when(sid == NS - 1)
        def _drain_tail():
            pltpu.sync_copy(acc.at[pl.ds(NS * rpt, N - NS * rpt)],
                            out_hbm.at[cid, pl.ds(NS * rpt, N - NS * rpt)])

    return _scatter


_scatter128 = _make_scatter(128, 3)
_scatter64 = _make_scatter(64, 5)


_R = 2000


def _t1_body(x_ref, w_ref, dp_ref, y_ref, d_ref):
    deg = 1.0 + jnp.sum(dp_ref[...], axis=1)
    dv = lax.rsqrt(deg)[:, None]
    xw = jnp.dot(x_ref[...], w_ref[...], preferred_element_type=jnp.float32)
    y_ref[...] = dv * xw
    d_ref[...] = dv


def _t2_body(p_ref, y1_ref, d_ref, b_ref, w_ref, y2_ref):
    dv = d_ref[...]
    h = jnp.maximum(dv * (p_ref[0] + p_ref[1] + y1_ref[...]) + b_ref[...], 0.0)
    y2_ref[...] = dv * jnp.dot(h, w_ref[...], preferred_element_type=jnp.float32)


def _t3_body(q_ref, y2_ref, d_ref, b_ref, w1_ref, b1_ref, w2_ref, b2_ref, o_ref):
    dv = d_ref[...]
    z = dv * (q_ref[0] + q_ref[1] + y2_ref[...]) + b_ref[...]
    h2 = jnp.maximum(jnp.dot(z, w1_ref[...], preferred_element_type=jnp.float32) + b1_ref[...], 0.0)
    o_ref[...] = jnp.dot(h2, w2_ref[...], preferred_element_type=jnp.float32) + b2_ref[...]


def _rows(d):
    return pl.BlockSpec((_R, d), lambda i: (i, 0))


def _full(a, b):
    return pl.BlockSpec((a, b), lambda i: (0, 0))


def _t1(x, W, dp):
    return pl.pallas_call(
        _t1_body,
        grid=(N // _R,),
        in_specs=[_rows(D_IN), _full(D_IN, D_H),
                  pl.BlockSpec((_R, NW), lambda i: (i, 0))],
        out_specs=[_rows(D_H), _rows(1)],
        out_shape=[
            jax.ShapeDtypeStruct((N, D_H), jnp.float32),
            jax.ShapeDtypeStruct((N, 1), jnp.float32),
        ],
    )(x, W, dp)


def _parts(d):
    return pl.BlockSpec((NC, _R, d), lambda i: (0, i, 0))


def _t2(p, y1, d, b, W):
    return pl.pallas_call(
        _t2_body,
        grid=(N // _R,),
        in_specs=[_parts(D_H), _rows(D_H), _rows(1),
                  _full(1, D_H), _full(D_H, D_Z)],
        out_specs=_rows(D_Z),
        out_shape=jax.ShapeDtypeStruct((N, D_Z), jnp.float32),
    )(p, y1, d, b, W)


def _t3(q, y2, d, b, W1, b1, W2, b2):
    return pl.pallas_call(
        _t3_body,
        grid=(N // _R,),
        in_specs=[_parts(D_Z), _rows(D_Z), _rows(1),
                  _full(1, D_Z), _full(D_Z, D_H), _full(1, D_H),
                  _full(D_H, D_IN), _full(1, D_IN)],
        out_specs=_rows(D_IN),
        out_shape=jax.ShapeDtypeStruct((N, D_IN), jnp.float32),
    )(q, y2, d, b, W1, b1, W2, b2)


def kernel(x, edge_index, Wc1, bc1, Wc2, bc2, Wd1, bd1, Wd2, bd2):
    e3 = edge_index.reshape(2, E // _C, _C)

    deg_parts = _deg_kernel(e3)
    dp = deg_parts.reshape(NW, NPAD).T

    y1, d = _t1(x, Wc1, dp)

    p = _scatter128(y1, e3, jnp.zeros((N // NS, D_H), jnp.float32))
    y2 = _t2(p, y1, d, bc1.reshape(1, D_H), Wc2)

    q = _scatter64(y2, e3, jnp.zeros((N // NS, D_Z), jnp.float32))
    out = _t3(q, y2, d, bc2.reshape(1, D_Z), Wd1,
              bd1.reshape(1, D_H), Wd2, bd2.reshape(1, D_IN))
    return out

# --- scband reference (transcript-rebuilt; emitter-appended) ---
"""Pipeline reference for scband-graph-ae-16853451670120 (READ-ONLY COPY).

The authoritative reference and input builder live on the scoring server;
editing this copy changes nothing except your own understanding.
"""

import jax, jax.numpy as jnp
import numpy as np

N = 10000
E = 320000
D_IN = 128
D_H = 128
D_Z = 64


def gcn_conv(x, edge_index, W, b):
    # PyG-style GCNConv: linear transform, add self-loops, symmetric norm, scatter-add, bias
    n = x.shape[0]
    src = edge_index[0]
    dst = edge_index[1]
    loop = jnp.arange(n, dtype=src.dtype)
    src = jnp.concatenate([src, loop])
    dst = jnp.concatenate([dst, loop])
    xw = x @ W
    deg = jnp.zeros((n,), dtype=x.dtype).at[dst].add(1.0)
    deg_inv_sqrt = jnp.where(deg > 0, jax.lax.rsqrt(jnp.maximum(deg, 1e-12)), 0.0)
    norm = deg_inv_sqrt[src] * deg_inv_sqrt[dst]
    msgs = xw[src] * norm[:, None]
    out = jnp.zeros((n, W.shape[1]), dtype=x.dtype).at[dst].add(msgs)
    return out + b


def setup_inputs(seed: int = 0):
    key = jax.random.key(seed)
    ks = jax.random.split(key, 10)
    x = jax.random.normal(ks[0], (N, D_IN), dtype=jnp.float32)
    edge_index = jax.random.randint(ks[1], (2, E), 0, N, dtype=jnp.int32)
    Wc1 = jax.random.normal(ks[2], (D_IN, D_H), dtype=jnp.float32) * (1.0 / np.sqrt(D_IN))
    bc1 = jnp.zeros((D_H,), dtype=jnp.float32)
    Wc2 = jax.random.normal(ks[3], (D_H, D_Z), dtype=jnp.float32) * (1.0 / np.sqrt(D_H))
    bc2 = jnp.zeros((D_Z,), dtype=jnp.float32)
    Wd1 = jax.random.normal(ks[4], (D_Z, D_H), dtype=jnp.float32) * (1.0 / np.sqrt(D_Z))
    bd1 = jnp.zeros((D_H,), dtype=jnp.float32)
    Wd2 = jax.random.normal(ks[5], (D_H, D_IN), dtype=jnp.float32) * (1.0 / np.sqrt(D_H))
    bd2 = jnp.zeros((D_IN,), dtype=jnp.float32)
    return {"x": x, "edge_index": edge_index, "Wc1": Wc1, "bc1": bc1, "Wc2": Wc2, "bc2": bc2, "Wd1": Wd1, "bd1": bd1, "Wd2": Wd2, "bd2": bd2}


def reference(x, edge_index, Wc1, bc1, Wc2, bc2, Wd1, bd1, Wd2, bd2):
    h = jax.nn.relu(gcn_conv(x, edge_index, Wc1, bc1))
    z = gcn_conv(h, edge_index, Wc2, bc2)
    h2 = jax.nn.relu(z @ Wd1 + bd1)
    return h2 @ Wd2 + bd2

if __name__ == "__main__":
    import jax
    _d = setup_inputs()
    print(jax.jit(kernel)(*tuple(_d.values())))

</pallas_src>

<mosaic_0001>
#map = affine_map<(d0, d1) -> (0, 0)>
#map1 = affine_map<(d0, d1) -> (0, 0, 0)>
module attributes {stable_mosaic.version = 14 : i64} {
  func.func @_scatter(%arg0: i32, %arg1: i32, %arg2: memref<10000x128xf32, #tpu.memory_space<hbm>>, %arg3: memref<2x4000x80xi32, #tpu.memory_space<hbm>>, %arg4: memref<625x128xf32, #tpu.memory_space<hbm>>, %arg5: memref<2x10000x128xf32, #tpu.memory_space<hbm>>, %arg6: memref<125x80xi32, #tpu.memory_space<vmem>>, %arg7: memref<125x80xi32, #tpu.memory_space<vmem>>, %arg8: memref<3x80x128xf32, #tpu.memory_space<vmem>>, %arg9: memref<10000x128xf32, #tpu.memory_space<vmem_shared>>, %arg10: memref<!tpu.dma_semaphore, #tpu.memory_space<semaphore_mem>>, %arg11: memref<!tpu.dma_semaphore, #tpu.memory_space<semaphore_mem>>, %arg12: memref<!tpu.dma_semaphore, #tpu.memory_space<semaphore_mem>>) attributes {dimension_semantics = [#tpu.dimension_semantics<core_parallel>, #tpu.dimension_semantics<subcore_parallel>], iteration_bounds = array<i64: 2, 16>, scalar_prefetch = 0 : i64, scratch_operands = 7 : i64, tpu.core_type = #tpu.core_type<sc_vector_subcore>, window_params = [{transform_indices = #map}, {transform_indices = #map1}, {transform_indices = #map}, {transform_indices = #map1}]} {
    %mul3A = arith.constant 16 : i32
    %mul3A_0 = arith.muli %arg0, %mul3A : i32
    %add3A = arith.addi %mul3A_0, %arg1 : i32
    %mul3A_1 = arith.constant 624 : i32
    %mul3A_2 = arith.muli %arg1, %mul3A_1 : i32
    "tpu.region"() ({
      %run_scoped3A_87 = tpu.sem_alloc : memref<!tpu.dma_semaphore, #tpu.memory_space<semaphore_mem>>
      %dma_start3A_88 = arith.constant 0 : i32
      %dma_start3A_89 = tpu.memref_slice %arg9[%mul3A_2, %dma_start3A_88] : memref<10000x128xf32, #tpu.memory_space<vmem_shared>> -> memref<624x128xf32, #tpu.memory_space<vmem_shared>>
      %dma_start3A_90 = arith.constant 0 : i32
      %dma_start3A_91 = arith.constant 0 : i32
      %dma_start3A_92 = tpu.memref_slice %arg4[%dma_start3A_90, %dma_start3A_91] : memref<625x128xf32, #tpu.memory_space<hbm>> -> memref<624x128xf32, #tpu.memory_space<hbm>>
      tpu.enqueue_dma source(%dma_start3A_92 : memref<624x128xf32, #tpu.memory_space<hbm>>) target(%dma_start3A_89 : memref<624x128xf32, #tpu.memory_space<vmem_shared>>) target_semaphore(%run_scoped3A_87 : memref<!tpu.dma_semaphore, #tpu.memory_space<semaphore_mem>>)
      %dma_wait3A_93 = arith.constant 0 : i32
      %dma_wait3A_94 = tpu.memref_slice %arg9[%mul3A_2, %dma_wait3A_93] : memref<10000x128xf32, #tpu.memory_space<vmem_shared>> -> memref<624x128xf32, #tpu.memory_space<vmem_shared>>
      %dma_wait3A_95 = arith.constant 0 : i32
      %dma_wait3A_96 = arith.constant 0 : i32
      %dma_wait3A_97 = tpu.memref_slice %arg4[%dma_wait3A_95, %dma_wait3A_96] : memref<625x128xf32, #tpu.memory_space<hbm>> -> memref<624x128xf32, #tpu.memory_space<hbm>>
      tpu.wait_dma2 semaphore(%run_scoped3A_87 : memref<!tpu.dma_semaphore, #tpu.memory_space<semaphore_mem>>) src(%dma_wait3A_97 : memref<624x128xf32, #tpu.memory_space<hbm>>) dst(%dma_wait3A_94 : memref<624x128xf32, #tpu.memory_space<vmem_shared>>)
      tpu.yield
    }) : () -> ()
    %eq3A = arith.constant 15 : i32
    %eq3A_3 = arith.cmpi eq, %arg1, %eq3A : i32
    %convert_element_type3A = arith.extui %eq3A_3 : i1 to i32
    %cond3A = arith.constant 0 : i32
    %cond3A_4 = arith.cmpi ne, %convert_element_type3A, %cond3A : i32
    scf.if %cond3A_4 {
      "tpu.region"() ({
        %run_scoped3A_87 = tpu.sem_alloc : memref<!tpu.dma_semaphore, #tpu.memory_space<semaphore_mem>>
        %dma_start3A_88 = arith.constant 9984 : i32
        %dma_start3A_89 = arith.constant 0 : i32
        %dma_start3A_90 = tpu.memref_slice %arg9[%dma_start3A_88, %dma_start3A_89] : memref<10000x128xf32, #tpu.memory_space<vmem_shared>> -> memref<16x128xf32, #tpu.memory_space<vmem_shared>>
        %dma_start3A_91 = arith.constant 0 : i32
        %dma_start3A_92 = arith.constant 0 : i32
        %dma_start3A_93 = tpu.memref_slice %arg4[%dma_start3A_91, %dma_start3A_92] : memref<625x128xf32, #tpu.memory_space<hbm>> -> memref<16x128xf32, #tpu.memory_space<hbm>>
        tpu.enqueue_dma source(%dma_start3A_93 : memref<16x128xf32, #tpu.memory_space<hbm>>) target(%dma_start3A_90 : memref<16x128xf32, #tpu.memory_space<vmem_shared>>) target_semaphore(%run_scoped3A_87 : memref<!tpu.dma_semaphore, #tpu.memory_space<semaphore_mem>>)
        %dma_wait3A_94 = arith.constant 9984 : i32
        %dma_wait3A_95 = arith.constant 0 : i32
        %dma_wait3A_96 = tpu.memref_slice %arg9[%dma_wait3A_94, %dma_wait3A_95] : memref<10000x128xf32, #tpu.memory_space<vmem_shared>> -> memref<16x128xf32, #tpu.memory_space<vmem_shared>>
        %dma_wait3A_97 = arith.constant 0 : i32
        %dma_wait3A_98 = arith.constant 0 : i32
        %dma_wait3A_99 = tpu.memref_slice %arg4[%dma_wait3A_97, %dma_wait3A_98] : memref<625x128xf32, #tpu.memory_space<hbm>> -> memref<16x128xf32, #tpu.memory_space<hbm>>
        tpu.wait_dma2 semaphore(%run_scoped3A_87 : memref<!tpu.dma_semaphore, #tpu.memory_space<semaphore_mem>>) src(%dma_wait3A_99 : memref<16x128xf32, #tpu.memory_space<hbm>>) dst(%dma_wait3A_96 : memref<16x128xf32, #tpu.memory_space<vmem_shared>>)
        tpu.yield
      }) : () -> ()
    } else {
    }
    %mul3A_5 = arith.constant 125 : i32
    %mul3A_6 = arith.muli %add3A, %mul3A_5 : i32
    %run_scoped3A = arith.constant 0 : i32
    "tpu.region"() ({
      %run_scoped3A_87 = tpu.sem_alloc : memref<!tpu.dma_semaphore, #tpu.memory_space<semaphore_mem>>
      %dma_start3A_88 = arith.constant 0 : i32
      %dma_start3A_89 = tpu.memref_slice %arg3[%run_scoped3A, %mul3A_6, %dma_start3A_88] : memref<2x4000x80xi32, #tpu.memory_space<hbm>> -> memref<1x125x80xi32, #tpu.memory_space<hbm>>
      %dma_start3A_90 = tpu.memref_squeeze %dma_start3A_89 : memref<1x125x80xi32, #tpu.memory_space<hbm>> -> memref<125x80xi32, #tpu.memory_space<hbm>>
      %dma_start3A_91 = arith.constant 0 : i32
      %dma_start3A_92 = tpu.memref_slice %arg3[%run_scoped3A, %mul3A_6, %dma_start3A_91] : memref<2x4000x80xi32, #tpu.memory_space<hbm>> -> memref<1x125x80xi32, #tpu.memory_space<hbm>>
      %dma_start3A_93 = tpu.memref_squeeze %dma_start3A_92 : memref<1x125x80xi32, #tpu.memory_space<hbm>> -> memref<125x80xi32, #tpu.memory_space<hbm>>
      tpu.enqueue_dma source(%dma_start3A_93 : memref<125x80xi32, #tpu.memory_space<hbm>>) target(%arg6 : memref<125x80xi32, #tpu.memory_space<vmem>>) target_semaphore(%run_scoped3A_87 : memref<!tpu.dma_semaphore, #tpu.memory_space<semaphore_mem>>)
      %dma_wait3A_94 = arith.constant 0 : i32
      %dma_wait3A_95 = tpu.memref_slice %arg3[%run_scoped3A, %mul3A_6, %dma_wait3A_94] : memref<2x4000x80xi32, #tpu.memory_space<hbm>> -> memref<1x125x80xi32, #tpu.memory_space<hbm>>
      %dma_wait3A_96 = tpu.memref_squeeze %dma_wait3A_95 : memref<1x125x80xi32, #tpu.memory_space<hbm>> -> memref<125x80xi32, #tpu.memory_space<hbm>>
      %dma_wait3A_97 = arith.constant 0 : i32
      %dma_wait3A_98 = tpu.memref_slice %arg3[%run_scoped3A, %mul3A_6, %dma_wait3A_97] : memref<2x4000x80xi32, #tpu.memory_space<hbm>> -> memref<1x125x80xi32, #tpu.memory_space<hbm>>
      %dma_wait3A_99 = tpu.memref_squeeze %dma_wait3A_98 : memref<1x125x80xi32, #tpu.memory_space<hbm>> -> memref<125x80xi32, #tpu.memory_space<hbm>>
      tpu.wait_dma2 semaphore(%run_scoped3A_87 : memref<!tpu.dma_semaphore, #tpu.memory_space<semaphore_mem>>) src(%dma_wait3A_99 : memref<125x80xi32, #tpu.memory_space<hbm>>) dst(%arg6 : memref<125x80xi32, #tpu.memory_space<vmem>>)
      tpu.yield
    }) : () -> ()
    %mul3A_7 = arith.constant 125 : i32
    %mul3A_8 = arith.muli %add3A, %mul3A_7 : i32
    %run_scoped3A_9 = arith.constant 1 : i32
    "tpu.region"() ({
      %run_scoped3A_87 = tpu.sem_alloc : memref<!tpu.dma_semaphore, #tpu.memory_space<semaphore_mem>>
      %dma_start3A_88 = arith.constant 0 : i32
      %dma_start3A_89 = tpu.memref_slice %arg3[%run_scoped3A_9, %mul3A_8, %dma_start3A_88] : memref<2x4000x80xi32, #tpu.memory_space<hbm>> -> memref<1x125x80xi32, #tpu.memory_space<hbm>>
      %dma_start3A_90 = tpu.memref_squeeze %dma_start3A_89 : memref<1x125x80xi32, #tpu.memory_space<hbm>> -> memref<125x80xi32, #tpu.memory_space<hbm>>
      %dma_start3A_91 = arith.constant 0 : i32
      %dma_start3A_92 = tpu.memref_slice %arg3[%run_scoped3A_9, %mul3A_8, %dma_start3A_91] : memref<2x4000x80xi32, #tpu.memory_space<hbm>> -> memref<1x125x80xi32, #tpu.memory_space<hbm>>
      %dma_start3A_93 = tpu.memref_squeeze %dma_start3A_92 : memref<1x125x80xi32, #tpu.memory_space<hbm>> -> memref<125x80xi32, #tpu.memory_space<hbm>>
      tpu.enqueue_dma source(%dma_start3A_93 : memref<125x80xi32, #tpu.memory_space<hbm>>) target(%arg7 : memref<125x80xi32, #tpu.memory_space<vmem>>) target_semaphore(%run_scoped3A_87 : memref<!tpu.dma_semaphore, #tpu.memory_space<semaphore_mem>>)
      %dma_wait3A_94 = arith.constant 0 : i32
      %dma_wait3A_95 = tpu.memref_slice %arg3[%run_scoped3A_9, %mul3A_8, %dma_wait3A_94] : memref<2x4000x80xi32, #tpu.memory_space<hbm>> -> memref<1x125x80xi32, #tpu.memory_space<hbm>>
      %dma_wait3A_96 = tpu.memref_squeeze %dma_wait3A_95 : memref<1x125x80xi32, #tpu.memory_space<hbm>> -> memref<125x80xi32, #tpu.memory_space<hbm>>
      %dma_wait3A_97 = arith.constant 0 : i32
      %dma_wait3A_98 = tpu.memref_slice %arg3[%run_scoped3A_9, %mul3A_8, %dma_wait3A_97] : memref<2x4000x80xi32, #tpu.memory_space<hbm>> -> memref<1x125x80xi32, #tpu.memory_space<hbm>>
      %dma_wait3A_99 = tpu.memref_squeeze %dma_wait3A_98 : memref<1x125x80xi32, #tpu.memory_space<hbm>> -> memref<125x80xi32, #tpu.memory_space<hbm>>
      tpu.wait_dma2 semaphore(%run_scoped3A_87 : memref<!tpu.dma_semaphore, #tpu.memory_space<semaphore_mem>>) src(%dma_wait3A_99 : memref<125x80xi32, #tpu.memory_space<hbm>>) dst(%arg7 : memref<125x80xi32, #tpu.memory_space<vmem>>)
      tpu.yield
    }) : () -> ()
    %barrier3A = arith.constant 0 : index
    tpu.barrier barrier_id(%barrier3A)
    %dma_start3A = arith.constant 0 : i32
    %dma_start3A_10 = arith.constant 0 : i32
    %dma_start3A_11 = arith.constant 0 : i32
    %dma_start3A_12 = arith.constant 0 : i32
    %dma_start3A_13 = tpu.memref_slice %arg8[%dma_start3A_10, %dma_start3A_11, %dma_start3A_12] : memref<3x80x128xf32, #tpu.memory_space<vmem>> -> memref<1x80x128xf32, #tpu.memory_space<vmem>>
    %dma_start3A_14 = tpu.memref_squeeze %dma_start3A_13 : memref<1x80x128xf32, #tpu.memory_space<vmem>> -> memref<80x128xf32, #tpu.memory_space<vmem>>
    %dma_start3A_15 = arith.constant 0 : i32
    %dma_start3A_16 = tpu.memref_slice %arg6[%dma_start3A, %dma_start3A_15] : memref<125x80xi32, #tpu.memory_space<vmem>> -> memref<1x80xi32, #tpu.memory_space<vmem>>
    %dma_start3A_17 = tpu.memref_squeeze %dma_start3A_16 : memref<1x80xi32, #tpu.memory_space<vmem>> -> memref<80xi32, #tpu.memory_space<vmem>>
    %dma_start3A_18 = arith.constant 0 : i32
    %dma_start3A_19 = arith.constant 0 : i32
    %dma_start3A_20 = tpu.memref_slice %arg2[%dma_start3A_18, %dma_start3A_19] : memref<10000x128xf32, #tpu.memory_space<hbm>> -> memref<10000x128xf32, #tpu.memory_space<hbm>>
    tpu.enqueue_indirect_dma source(%dma_start3A_20 : memref<10000x128xf32, #tpu.memory_space<hbm>>) target(%dma_start3A_14 : memref<80x128xf32, #tpu.memory_space<vmem>>) offsets(%dma_start3A_17 : memref<80xi32, #tpu.memory_space<vmem>>) semaphore(%arg10 : memref<!tpu.dma_semaphore, #tpu.memory_space<semaphore_mem>>)
    %dma_start3A_21 = arith.constant 1 : i32
    %dma_start3A_22 = arith.constant 1 : i32
    %dma_start3A_23 = arith.constant 0 : i32
    %dma_start3A_24 = arith.constant 0 : i32
    %dma_start3A_25 = tpu.memref_slice %arg8[%dma_start3A_22, %dma_start3A_23, %dma_start3A_24] : memref<3x80x128xf32, #tpu.memory_space<vmem>> -> memref<1x80x128xf32, #tpu.memory_space<vmem>>
    %dma_start3A_26 = tpu.memref_squeeze %dma_start3A_25 : memref<1x80x128xf32, #tpu.memory_space<vmem>> -> memref<80x128xf32, #tpu.memory_space<vmem>>
    %dma_start3A_27 = arith.constant 0 : i32
    %dma_start3A_28 = tpu.memref_slice %arg6[%dma_start3A_21, %dma_start3A_27] : memref<125x80xi32, #tpu.memory_space<vmem>> -> memref<1x80xi32, #tpu.memory_space<vmem>>
    %dma_start3A_29 = tpu.memref_squeeze %dma_start3A_28 : memref<1x80xi32, #tpu.memory_space<vmem>> -> memref<80xi32, #tpu.memory_space<vmem>>
    %dma_start3A_30 = arith.constant 0 : i32
    %dma_start3A_31 = arith.constant 0 : i32
    %dma_start3A_32 = tpu.memref_slice %arg2[%dma_start3A_30, %dma_start3A_31] : memref<10000x128xf32, #tpu.memory_space<hbm>> -> memref<10000x128xf32, #tpu.memory_space<hbm>>
    tpu.enqueue_indirect_dma source(%dma_start3A_32 : memref<10000x128xf32, #tpu.memory_space<hbm>>) target(%dma_start3A_26 : memref<80x128xf32, #tpu.memory_space<vmem>>) offsets(%dma_start3A_29 : memref<80xi32, #tpu.memory_space<vmem>>) semaphore(%arg11 : memref<!tpu.dma_semaphore, #tpu.memory_space<semaphore_mem>>)
    %dma_start3A_33 = arith.constant 2 : i32
    %dma_start3A_34 = arith.constant 2 : i32
    %dma_start3A_35 = arith.constant 0 : i32
    %dma_start3A_36 = arith.constant 0 : i32
    %dma_start3A_37 = tpu.memref_slice %arg8[%dma_start3A_34, %dma_start3A_35, %dma_start3A_36] : memref<3x80x128xf32, #tpu.memory_space<vmem>> -> memref<1x80x128xf32, #tpu.memory_space<vmem>>
    %dma_start3A_38 = tpu.memref_squeeze %dma_start3A_37 : memref<1x80x128xf32, #tpu.memory_space<vmem>> -> memref<80x128xf32, #tpu.memory_space<vmem>>
    %dma_start3A_39 = arith.constant 0 : i32
    %dma_start3A_40 = tpu.memref_slice %arg6[%dma_start3A_33, %dma_start3A_39] : memref<125x80xi32, #tpu.memory_space<vmem>> -> memref<1x80xi32, #tpu.memory_space<vmem>>
    %dma_start3A_41 = tpu.memref_squeeze %dma_start3A_40 : memref<1x80xi32, #tpu.memory_space<vmem>> -> memref<80xi32, #tpu.memory_space<vmem>>
    %dma_start3A_42 = arith.constant 0 : i32
    %dma_start3A_43 = arith.constant 0 : i32
    %dma_start3A_44 = tpu.memref_slice %arg2[%dma_start3A_42, %dma_start3A_43] : memref<10000x128xf32, #tpu.memory_space<hbm>> -> memref<10000x128xf32, #tpu.memory_space<hbm>>
    tpu.enqueue_indirect_dma source(%dma_start3A_44 : memref<10000x128xf32, #tpu.memory_space<hbm>>) target(%dma_start3A_38 : memref<80x128xf32, #tpu.memory_space<vmem>>) offsets(%dma_start3A_41 : memref<80xi32, #tpu.memory_space<vmem>>) semaphore(%arg12 : memref<!tpu.dma_semaphore, #tpu.memory_space<semaphore_mem>>)
    %scan3A = arith.constant 0 : i32
    %scan3A_45 = arith.constant 0 : i32
    %scan3A_46 = arith.constant 41 : i32
    %scan3A_47 = arith.addi %scan3A_45, %scan3A_46 : i32
    %scan3A_48 = arith.constant 1 : i32
    scf.for %scan3A_87 = %scan3A_45 to %scan3A_47 step %scan3A_48  : i32 {
      %mul3A_88 = arith.constant 3 : i32
      %mul3A_89 = arith.muli %scan3A_87, %mul3A_88 : i32
      %add3A_90 = arith.constant 0 : i32
      %add3A_91 = arith.addi %mul3A_89, %add3A_90 : i32
      %dma_wait3A_92 = arith.constant 0 : i32
      %dma_wait3A_93 = arith.constant 0 : i32
      %dma_wait3A_94 = arith.constant 0 : i32
      %dma_wait3A_95 = tpu.memref_slice %arg8[%dma_wait3A_92, %dma_wait3A_93, %dma_wait3A_94] : memref<3x80x128xf32, #tpu.memory_space<vmem>> -> memref<1x80x128xf32, #tpu.memory_space<vmem>>
      %dma_wait3A_96 = tpu.memref_squeeze %dma_wait3A_95 : memref<1x80x128xf32, #tpu.memory_space<vmem>> -> memref<80x128xf32, #tpu.memory_space<vmem>>
      %dma_wait3A_97 = arith.constant 0 : i32
      %dma_wait3A_98 = tpu.memref_slice %arg6[%add3A_91, %dma_wait3A_97] : memref<125x80xi32, #tpu.memory_space<vmem>> -> memref<1x80xi32, #tpu.memory_space<vmem>>
      %dma_wait3A_99 = tpu.memref_squeeze %dma_wait3A_98 : memref<1x80xi32, #tpu.memory_space<vmem>> -> memref<80xi32, #tpu.memory_space<vmem>>
      %dma_wait3A_100 = arith.constant 0 : i32
      %dma_wait3A_101 = arith.constant 0 : i32
      %dma_wait3A_102 = tpu.memref_slice %arg2[%dma_wait3A_100, %dma_wait3A_101] : memref<10000x128xf32, #tpu.memory_space<hbm>> -> memref<10000x128xf32, #tpu.memory_space<hbm>>
      tpu.wait_indirect_dma semaphore(%arg10 : memref<!tpu.dma_semaphore, #tpu.memory_space<semaphore_mem>>) src(%dma_wait3A_102 : memref<10000x128xf32, #tpu.memory_space<hbm>>) dst(%dma_wait3A_96 : memref<80x128xf32, #tpu.memory_space<vmem>>)
      %run_scoped3A_103 = arith.constant 0 : i32
      "tpu.region"() ({
        %run_scoped3A_156 = tpu.sem_alloc : memref<!tpu.dma_semaphore, #tpu.memory_space<semaphore_mem>>
        %dma_start3A_157 = arith.constant 0 : i32
        %dma_start3A_158 = arith.constant 0 : i32
        %dma_start3A_159 = tpu.memref_slice %arg8[%run_scoped3A_103, %dma_start3A_157, %dma_start3A_158] : memref<3x80x128xf32, #tpu.memory_space<vmem>> -> memref<1x80x128xf32, #tpu.memory_space<vmem>>
        %dma_start3A_160 = tpu.memref_squeeze %dma_start3A_159 : memref<1x80x128xf32, #tpu.memory_space<vmem>> -> memref<80x128xf32, #tpu.memory_space<vmem>>
        %dma_start3A_161 = arith.constant 0 : i32
        %dma_start3A_162 = tpu.memref_slice %arg7[%add3A_91, %dma_start3A_161] : memref<125x80xi32, #tpu.memory_space<vmem>> -> memref<1x80xi32, #tpu.memory_space<vmem>>
        %dma_start3A_163 = tpu.memref_squeeze %dma_start3A_162 : memref<1x80xi32, #tpu.memory_space<vmem>> -> memref<80xi32, #tpu.memory_space<vmem>>
        %dma_start3A_164 = arith.constant 0 : i32
        %dma_start3A_165 = arith.constant 0 : i32
        %dma_start3A_166 = tpu.memref_slice %arg9[%dma_start3A_164, %dma_start3A_165] : memref<10000x128xf32, #tpu.memory_space<vmem_shared>> -> memref<10000x128xf32, #tpu.memory_space<vmem_shared>>
        tpu.enqueue_indirect_dma source(%dma_start3A_160 : memref<80x128xf32, #tpu.memory_space<vmem>>) target(%dma_start3A_166 : memref<10000x128xf32, #tpu.memory_space<vmem_shared>>) offsets(%dma_start3A_163 : memref<80xi32, #tpu.memory_space<vmem>>) semaphore(%run_scoped3A_156 : memref<!tpu.dma_semaphore, #tpu.memory_space<semaphore_mem>>) {add = true}
        %dma_wait3A_167 = arith.constant 0 : i32
        %dma_wait3A_168 = arith.constant 0 : i32
        %dma_wait3A_169 = tpu.memref_slice %arg8[%run_scoped3A_103, %dma_wait3A_167, %dma_wait3A_168] : memref<3x80x128xf32, #tpu.memory_space<vmem>> -> memref<1x80x128xf32, #tpu.memory_space<vmem>>
        %dma_wait3A_170 = tpu.memref_squeeze %dma_wait3A_169 : memref<1x80x128xf32, #tpu.memory_space<vmem>> -> memref<80x128xf32, #tpu.memory_space<vmem>>
        %dma_wait3A_171 = arith.constant 0 : i32
        %dma_wait3A_172 = tpu.memref_slice %arg7[%add3A_91, %dma_wait3A_171] : memref<125x80xi32, #tpu.memory_space<vmem>> -> memref<1x80xi32, #tpu.memory_space<vmem>>
        %dma_wait3A_173 = tpu.memref_squeeze %dma_wait3A_172 : memref<1x80xi32, #tpu.memory_space<vmem>> -> memref<80xi32, #tpu.memory_space<vmem>>
        %dma_wait3A_174 = arith.constant 0 : i32
        %dma_wait3A_175 = arith.constant 0 : i32
        %dma_wait3A_176 = tpu.memref_slice %arg9[%dma_wait3A_174, %dma_wait3A_175] : memref<10000x128xf32, #tpu.memory_space<vmem_shared>> -> memref<10000x128xf32, #tpu.memory_space<vmem_shared>>
        tpu.wait_indirect_dma semaphore(%run_scoped3A_156 : memref<!tpu.dma_semaphore, #tpu.memory_space<semaphore_mem>>) src(%dma_wait3A_170 : memref<80x128xf32, #tpu.memory_space<vmem>>) dst(%dma_wait3A_176 : memref<10000x128xf32, #tpu.memory_space<vmem_shared>>)
        tpu.yield
      }) : () -> ()
      %add3A_104 = arith.constant 3 : i32
      %add3A_105 = arith.addi %add3A_91, %add3A_104 : i32
      %lt3A = arith.constant 125 : i32
      %lt3A_106 = arith.cmpi slt, %add3A_105, %lt3A : i32
      %convert_element_type3A_107 = arith.extui %lt3A_106 : i1 to i32
      %cond3A_108 = arith.constant 0 : i32
      %cond3A_109 = arith.cmpi ne, %convert_element_type3A_107, %cond3A_108 : i32
      scf.if %cond3A_109 {
        %add3A_156 = arith.constant 3 : i32
        %add3A_157 = arith.addi %add3A_91, %add3A_156 : i32
        %dma_start3A_158 = arith.constant 0 : i32
        %dma_start3A_159 = arith.constant 0 : i32
        %dma_start3A_160 = arith.constant 0 : i32
        %dma_start3A_161 = tpu.memref_slice %arg8[%dma_start3A_158, %dma_start3A_159, %dma_start3A_160] : memref<3x80x128xf32, #tpu.memory_space<vmem>> -> memref<1x80x128xf32, #tpu.memory_space<vmem>>
        %dma_start3A_162 = tpu.memref_squeeze %dma_start3A_161 : memref<1x80x128xf32, #tpu.memory_space<vmem>> -> memref<80x128xf32, #tpu.memory_space<vmem>>
        %dma_start3A_163 = arith.constant 0 : i32
        %dma_start3A_164 = tpu.memref_slice %arg6[%add3A_157, %dma_start3A_163] : memref<125x80xi32, #tpu.memory_space<vmem>> -> memref<1x80xi32, #tpu.memory_space<vmem>>
        %dma_start3A_165 = tpu.memref_squeeze %dma_start3A_164 : memref<1x80xi32, #tpu.memory_space<vmem>> -> memref<80xi32, #tpu.memory_space<vmem>>
        %dma_start3A_166 = arith.constant 0 : i32
        %dma_start3A_167 = arith.constant 0 : i32
        %dma_start3A_168 = tpu.memref_slice %arg2[%dma_start3A_166, %dma_start3A_167] : memref<10000x128xf32, #tpu.memory_space<hbm>> -> memref<10000x128xf32, #tpu.memory_space<hbm>>
        tpu.enqueue_indirect_dma source(%dma_start3A_168 : memref<10000x128xf32, #tpu.memory_space<hbm>>) target(%dma_start3A_162 : memref<80x128xf32, #tpu.memory_space<vmem>>) offsets(%dma_start3A_165 : memref<80xi32, #tpu.memory_space<vmem>>) semaphore(%arg10 : memref<!tpu.dma_semaphore, #tpu.memory_space<semaphore_mem>>)
      } else {
      }
      %mul3A_110 = arith.constant 3 : i32
      %mul3A_111 = arith.muli %scan3A_87, %mul3A_110 : i32
      %add3A_112 = arith.constant 1 : i32
      %add3A_113 = arith.addi %mul3A_111, %add3A_112 : i32
      %dma_wait3A_114 = arith.constant 1 : i32
      %dma_wait3A_115 = arith.constant 0 : i32
      %dma_wait3A_116 = arith.constant 0 : i32
      %dma_wait3A_117 = tpu.memref_slice %arg8[%dma_wait3A_114, %dma_wait3A_115, %dma_wait3A_116] : memref<3x80x128xf32, #tpu.memory_space<vmem>> -> memref<1x80x128xf32, #tpu.memory_space<vmem>>
      %dma_wait3A_118 = tpu.memref_squeeze %dma_wait3A_117 : memref<1x80x128xf32, #tpu.memory_space<vmem>> -> memref<80x128xf32, #tpu.memory_space<vmem>>
      %dma_wait3A_119 = arith.constant 0 : i32
      %dma_wait3A_120 = tpu.memref_slice %arg6[%add3A_113, %dma_wait3A_119] : memref<125x80xi32, #tpu.memory_space<vmem>> -> memref<1x80xi32, #tpu.memory_space<vmem>>
      %dma_wait3A_121 = tpu.memref_squeeze %dma_wait3A_120 : memref<1x80xi32, #tpu.memory_space<vmem>> -> memref<80xi32, #tpu.memory_space<vmem>>
      %dma_wait3A_122 = arith.constant 0 : i32
      %dma_wait3A_123 = arith.constant 0 : i32
      %dma_wait3A_124 = tpu.memref_slice %arg2[%dma_wait3A_122, %dma_wait3A_123] : memref<10000x128xf32, #tpu.memory_space<hbm>> -> memref<10000x128xf32, #tpu.memory_space<hbm>>
      tpu.wait_indirect_dma semaphore(%arg11 : memref<!tpu.dma_semaphore, #tpu.memory_space<semaphore_mem>>) src(%dma_wait3A_124 : memref<10000x128xf32, #tpu.memory_space<hbm>>) dst(%dma_wait3A_118 : memref<80x128xf32, #tpu.memory_space<vmem>>)
      %run_scoped3A_125 = arith.constant 1 : i32
      "tpu.region"() ({
        %run_scoped3A_156 = tpu.sem_alloc : memref<!tpu.dma_semaphore, #tpu.memory_space<semaphore_mem>>
        %dma_start3A_157 = arith.constant 0 : i32
        %dma_start3A_158 = arith.constant 0 : i32
        %dma_start3A_159 = tpu.memref_slice %arg8[%run_scoped3A_125, %dma_start3A_157, %dma_start3A_158] : memref<3x80x128xf32, #tpu.memory_space<vmem>> -> memref<1x80x128xf32, #tpu.memory_space<vmem>>
        %dma_start3A_160 = tpu.memref_squeeze %dma_start3A_159 : memref<1x80x128xf32, #tpu.memory_space<vmem>> -> memref<80x128xf32, #tpu.memory_space<vmem>>
        %dma_start3A_161 = arith.constant 0 : i32
        %dma_start3A_162 = tpu.memref_slice %arg7[%add3A_113, %dma_start3A_161] : memref<125x80xi32, #tpu.memory_space<vmem>> -> memref<1x80xi32, #tpu.memory_space<vmem>>
        %dma_start3A_163 = tpu.memref_squeeze %dma_start3A_162 : memref<1x80xi32, #tpu.memory_space<vmem>> -> memref<80xi32, #tpu.memory_space<vmem>>
        %dma_start3A_164 = arith.constant 0 : i32
        %dma_start3A_165 = arith.constant 0 : i32
        %dma_start3A_166 = tpu.memref_slice %arg9[%dma_start3A_164, %dma_start3A_165] : memref<10000x128xf32, #tpu.memory_space<vmem_shared>> -> memref<10000x128xf32, #tpu.memory_space<vmem_shared>>
        tpu.enqueue_indirect_dma source(%dma_start3A_160 : memref<80x128xf32, #tpu.memory_space<vmem>>) target(%dma_start3A_166 : memref<10000x128xf32, #tpu.memory_space<vmem_shared>>) offsets(%dma_start3A_163 : memref<80xi32, #tpu.memory_space<vmem>>) semaphore(%run_scoped3A_156 : memref<!tpu.dma_semaphore, #tpu.memory_space<semaphore_mem>>) {add = true}
        %dma_wait3A_167 = arith.constant 0 : i32
        %dma_wait3A_168 = arith.constant 0 : i32
        %dma_wait3A_169 = tpu.memref_slice %arg8[%run_scoped3A_125, %dma_wait3A_167, %dma_wait3A_168] : memref<3x80x128xf32, #tpu.memory_space<vmem>> -> memref<1x80x128xf32, #tpu.memory_space<vmem>>
        %dma_wait3A_170 = tpu.memref_squeeze %dma_wait3A_169 : memref<1x80x128xf32, #tpu.memory_space<vmem>> -> memref<80x128xf32, #tpu.memory_space<vmem>>
        %dma_wait3A_171 = arith.constant 0 : i32
        %dma_wait3A_172 = tpu.memref_slice %arg7[%add3A_113, %dma_wait3A_171] : memref<125x80xi32, #tpu.memory_space<vmem>> -> memref<1x80xi32, #tpu.memory_space<vmem>>
        %dma_wait3A_173 = tpu.memref_squeeze %dma_wait3A_172 : memref<1x80xi32, #tpu.memory_space<vmem>> -> memref<80xi32, #tpu.memory_space<vmem>>
        %dma_wait3A_174 = arith.constant 0 : i32
        %dma_wait3A_175 = arith.constant 0 : i32
        %dma_wait3A_176 = tpu.memref_slice %arg9[%dma_wait3A_174, %dma_wait3A_175] : memref<10000x128xf32, #tpu.memory_space<vmem_shared>> -> memref<10000x128xf32, #tpu.memory_space<vmem_shared>>
        tpu.wait_indirect_dma semaphore(%run_scoped3A_156 : memref<!tpu.dma_semaphore, #tpu.memory_space<semaphore_mem>>) src(%dma_wait3A_170 : memref<80x128xf32, #tpu.memory_space<vmem>>) dst(%dma_wait3A_176 : memref<10000x128xf32, #tpu.memory_space<vmem_shared>>)
        tpu.yield
      }) : () -> ()
      %add3A_126 = arith.constant 3 : i32
      %add3A_127 = arith.addi %add3A_113, %add3A_126 : i32
      %lt3A_128 = arith.constant 125 : i32
      %lt3A_129 = arith.cmpi slt, %add3A_127, %lt3A_128 : i32
      %convert_element_type3A_130 = arith.extui %lt3A_129 : i1 to i32
      %cond3A_131 = arith.constant 0 : i32
      %cond3A_132 = arith.cmpi ne, %convert_element_type3A_130, %cond3A_131 : i32
      scf.if %cond3A_132 {
        %add3A_156 = arith.constant 3 : i32
        %add3A_157 = arith.addi %add3A_113, %add3A_156 : i32
        %dma_start3A_158 = arith.constant 1 : i32
        %dma_start3A_159 = arith.constant 0 : i32
        %dma_start3A_160 = arith.constant 0 : i32
        %dma_start3A_161 = tpu.memref_slice %arg8[%dma_start3A_158, %dma_start3A_159, %dma_start3A_160] : memref<3x80x128xf32, #tpu.memory_space<vmem>> -> memref<1x80x128xf32, #tpu.memory_space<vmem>>
        %dma_start3A_162 = tpu.memref_squeeze %dma_start3A_161 : memref<1x80x128xf32, #tpu.memory_space<vmem>> -> memref<80x128xf32, #tpu.memory_space<vmem>>
        %dma_start3A_163 = arith.constant 0 : i32
        %dma_start3A_164 = tpu.memref_slice %arg6[%add3A_157, %dma_start3A_163] : memref<125x80xi32, #tpu.memory_space<vmem>> -> memref<1x80xi32, #tpu.memory_space<vmem>>
        %dma_start3A_165 = tpu.memref_squeeze %dma_start3A_164 : memref<1x80xi32, #tpu.memory_space<vmem>> -> memref<80xi32, #tpu.memory_space<vmem>>
        %dma_start3A_166 = arith.constant 0 : i32
        %dma_start3A_167 = arith.constant 0 : i32
        %dma_start3A_168 = tpu.memref_slice %arg2[%dma_start3A_166, %dma_start3A_167] : memref<10000x128xf32, #tpu.memory_space<hbm>> -> memref<10000x128xf32, #tpu.memory_space<hbm>>
        tpu.enqueue_indirect_dma source(%dma_start3A_168 : memref<10000x128xf32, #tpu.memory_space<hbm>>) target(%dma_start3A_162 : memref<80x128xf32, #tpu.memory_space<vmem>>) offsets(%dma_start3A_165 : memref<80xi32, #tpu.memory_space<vmem>>) semaphore(%arg11 : memref<!tpu.dma_semaphore, #tpu.memory_space<semaphore_mem>>)
      } else {
      }
      %mul3A_133 = arith.constant 3 : i32
      %mul3A_134 = arith.muli %scan3A_87, %mul3A_133 : i32
      %add3A_135 = arith.constant 2 : i32
      %add3A_136 = arith.addi %mul3A_134, %add3A_135 : i32
      %dma_wait3A_137 = arith.constant 2 : i32
      %dma_wait3A_138 = arith.constant 0 : i32
      %dma_wait3A_139 = arith.constant 0 : i32
      %dma_wait3A_140 = tpu.memref_slice %arg8[%dma_wait3A_137, %dma_wait3A_138, %dma_wait3A_139] : memref<3x80x128xf32, #tpu.memory_space<vmem>> -> memref<1x80x128xf32, #tpu.memory_space<vmem>>
      %dma_wait3A_141 = tpu.memref_squeeze %dma_wait3A_140 : memref<1x80x128xf32, #tpu.memory_space<vmem>> -> memref<80x128xf32, #tpu.memory_space<vmem>>
      %dma_wait3A_142 = arith.constant 0 : i32
      %dma_wait3A_143 = tpu.memref_slice %arg6[%add3A_136, %dma_wait3A_142] : memref<125x80xi32, #tpu.memory_space<vmem>> -> memref<1x80xi32, #tpu.memory_space<vmem>>
      %dma_wait3A_144 = tpu.memref_squeeze %dma_wait3A_143 : memref<1x80xi32, #tpu.memory_space<vmem>> -> memref<80xi32, #tpu.memory_space<vmem>>
      %dma_wait3A_145 = arith.constant 0 : i32
      %dma_wait3A_146 = arith.constant 0 : i32
      %dma_wait3A_147 = tpu.memref_slice %arg2[%dma_wait3A_145, %dma_wait3A_146] : memref<10000x128xf32, #tpu.memory_space<hbm>> -> memref<10000x128xf32, #tpu.memory_space<hbm>>
      tpu.wait_indirect_dma semaphore(%arg12 : memref<!tpu.dma_semaphore, #tpu.memory_space<semaphore_mem>>) src(%dma_wait3A_147 : memref<10000x128xf32, #tpu.memory_space<hbm>>) dst(%dma_wait3A_141 : memref<80x128xf32, #tpu.memory_space<vmem>>)
      %run_scoped3A_148 = arith.constant 2 : i32
      "tpu.region"() ({
        %run_scoped3A_156 = tpu.sem_alloc : memref<!tpu.dma_semaphore, #tpu.memory_space<semaphore_mem>>
        %dma_start3A_157 = arith.constant 0 : i32
        %dma_start3A_158 = arith.constant 0 : i32
        %dma_start3A_159 = tpu.memref_slice %arg8[%run_scoped3A_148, %dma_start3A_157, %dma_start3A_158] : memref<3x80x128xf32, #tpu.memory_space<vmem>> -> memref<1x80x128xf32, #tpu.memory_space<vmem>>
        %dma_start3A_160 = tpu.memref_squeeze %dma_start3A_159 : memref<1x80x128xf32, #tpu.memory_space<vmem>> -> memref<80x128xf32, #tpu.memory_space<vmem>>
        %dma_start3A_161 = arith.constant 0 : i32
        %dma_start3A_162 = tpu.memref_slice %arg7[%add3A_136, %dma_start3A_161] : memref<125x80xi32, #tpu.memory_space<vmem>> -> memref<1x80xi32, #tpu.memory_space<vmem>>
        %dma_start3A_163 = tpu.memref_squeeze %dma_start3A_162 : memref<1x80xi32, #tpu.memory_space<vmem>> -> memref<80xi32, #tpu.memory_space<vmem>>
        %dma_start3A_164 = arith.constant 0 : i32
        %dma_start3A_165 = arith.constant 0 : i32
        %dma_start3A_166 = tpu.memref_slice %arg9[%dma_start3A_164, %dma_start3A_165] : memref<10000x128xf32, #tpu.memory_space<vmem_shared>> -> memref<10000x128xf32, #tpu.memory_space<vmem_shared>>
        tpu.enqueue_indirect_dma source(%dma_start3A_160 : memref<80x128xf32, #tpu.memory_space<vmem>>) target(%dma_start3A_166 : memref<10000x128xf32, #tpu.memory_space<vmem_shared>>) offsets(%dma_start3A_163 : memref<80xi32, #tpu.memory_space<vmem>>) semaphore(%run_scoped3A_156 : memref<!tpu.dma_semaphore, #tpu.memory_space<semaphore_mem>>) {add = true}
        %dma_wait3A_167 = arith.constant 0 : i32
        %dma_wait3A_168 = arith.constant 0 : i32
        %dma_wait3A_169 = tpu.memref_slice %arg8[%run_scoped3A_148, %dma_wait3A_167, %dma_wait3A_168] : memref<3x80x128xf32, #tpu.memory_space<vmem>> -> memref<1x80x128xf32, #tpu.memory_space<vmem>>
        %dma_wait3A_170 = tpu.memref_squeeze %dma_wait3A_169 : memref<1x80x128xf32, #tpu.memory_space<vmem>> -> memref<80x128xf32, #tpu.memory_space<vmem>>
        %dma_wait3A_171 = arith.constant 0 : i32
        %dma_wait3A_172 = tpu.memref_slice %arg7[%add3A_136, %dma_wait3A_171] : memref<125x80xi32, #tpu.memory_space<vmem>> -> memref<1x80xi32, #tpu.memory_space<vmem>>
        %dma_wait3A_173 = tpu.memref_squeeze %dma_wait3A_172 : memref<1x80xi32, #tpu.memory_space<vmem>> -> memref<80xi32, #tpu.memory_space<vmem>>
        %dma_wait3A_174 = arith.constant 0 : i32
        %dma_wait3A_175 = arith.constant 0 : i32
        %dma_wait3A_176 = tpu.memref_slice %arg9[%dma_wait3A_174, %dma_wait3A_175] : memref<10000x128xf32, #tpu.memory_space<vmem_shared>> -> memref<10000x128xf32, #tpu.memory_space<vmem_shared>>
        tpu.wait_indirect_dma semaphore(%run_scoped3A_156 : memref<!tpu.dma_semaphore, #tpu.memory_space<semaphore_mem>>) src(%dma_wait3A_170 : memref<80x128xf32, #tpu.memory_space<vmem>>) dst(%dma_wait3A_176 : memref<10000x128xf32, #tpu.memory_space<vmem_shared>>)
        tpu.yield
      }) : () -> ()
      %add3A_149 = arith.constant 3 : i32
      %add3A_150 = arith.addi %add3A_136, %add3A_149 : i32
      %lt3A_151 = arith.constant 125 : i32
      %lt3A_152 = arith.cmpi slt, %add3A_150, %lt3A_151 : i32
      %convert_element_type3A_153 = arith.extui %lt3A_152 : i1 to i32
      %cond3A_154 = arith.constant 0 : i32
      %cond3A_155 = arith.cmpi ne, %convert_element_type3A_153, %cond3A_154 : i32
      scf.if %cond3A_155 {
        %add3A_156 = arith.constant 3 : i32
        %add3A_157 = arith.addi %add3A_136, %add3A_156 : i32
        %dma_start3A_158 = arith.constant 2 : i32
        %dma_start3A_159 = arith.constant 0 : i32
        %dma_start3A_160 = arith.constant 0 : i32
        %dma_start3A_161 = tpu.memref_slice %arg8[%dma_start3A_158, %dma_start3A_159, %dma_start3A_160] : memref<3x80x128xf32, #tpu.memory_space<vmem>> -> memref<1x80x128xf32, #tpu.memory_space<vmem>>
        %dma_start3A_162 = tpu.memref_squeeze %dma_start3A_161 : memref<1x80x128xf32, #tpu.memory_space<vmem>> -> memref<80x128xf32, #tpu.memory_space<vmem>>
        %dma_start3A_163 = arith.constant 0 : i32
        %dma_start3A_164 = tpu.memref_slice %arg6[%add3A_157, %dma_start3A_163] : memref<125x80xi32, #tpu.memory_space<vmem>> -> memref<1x80xi32, #tpu.memory_space<vmem>>
        %dma_start3A_165 = tpu.memref_squeeze %dma_start3A_164 : memref<1x80xi32, #tpu.memory_space<vmem>> -> memref<80xi32, #tpu.memory_space<vmem>>
        %dma_start3A_166 = arith.constant 0 : i32
        %dma_start3A_167 = arith.constant 0 : i32
        %dma_start3A_168 = tpu.memref_slice %arg2[%dma_start3A_166, %dma_start3A_167] : memref<10000x128xf32, #tpu.memory_space<hbm>> -> memref<10000x128xf32, #tpu.memory_space<hbm>>
        tpu.enqueue_indirect_dma source(%dma_start3A_168 : memref<10000x128xf32, #tpu.memory_space<hbm>>) target(%dma_start3A_162 : memref<80x128xf32, #tpu.memory_space<vmem>>) offsets(%dma_start3A_165 : memref<80xi32, #tpu.memory_space<vmem>>) semaphore(%arg12 : memref<!tpu.dma_semaphore, #tpu.memory_space<semaphore_mem>>)
      } else {
      }
    }
    %scan3A_49 = arith.constant 41 : i32
    %dma_wait3A = arith.constant 123 : i32
    %dma_wait3A_50 = arith.constant 0 : i32
    %dma_wait3A_51 = arith.constant 0 : i32
    %dma_wait3A_52 = arith.constant 0 : i32
    %dma_wait3A_53 = tpu.memref_slice %arg8[%dma_wait3A_50, %dma_wait3A_51, %dma_wait3A_52] : memref<3x80x128xf32, #tpu.memory_space<vmem>> -> memref<1x80x128xf32, #tpu.memory_space<vmem>>
    %dma_wait3A_54 = tpu.memref_squeeze %dma_wait3A_53 : memref<1x80x128xf32, #tpu.memory_space<vmem>> -> memref<80x128xf32, #tpu.memory_space<vmem>>
    %dma_wait3A_55 = arith.constant 0 : i32
    %dma_wait3A_56 = tpu.memref_slice %arg6[%dma_wait3A, %dma_wait3A_55] : memref<125x80xi32, #tpu.memory_space<vmem>> -> memref<1x80xi32, #tpu.memory_space<vmem>>
    %dma_wait3A_57 = tpu.memref_squeeze %dma_wait3A_56 : memref<1x80xi32, #tpu.memory_space<vmem>> -> memref<80xi32, #tpu.memory_space<vmem>>
    %dma_wait3A_58 = arith.constant 0 : i32
    %dma_wait3A_59 = arith.constant 0 : i32
    %dma_wait3A_60 = tpu.memref_slice %arg2[%dma_wait3A_58, %dma_wait3A_59] : memref<10000x128xf32, #tpu.memory_space<hbm>> -> memref<10000x128xf32, #tpu.memory_space<hbm>>
    tpu.wait_indirect_dma semaphore(%arg10 : memref<!tpu.dma_semaphore, #tpu.memory_space<semaphore_mem>>) src(%dma_wait3A_60 : memref<10000x128xf32, #tpu.memory_space<hbm>>) dst(%dma_wait3A_54 : memref<80x128xf32, #tpu.memory_space<vmem>>)
    %run_scoped3A_61 = arith.constant 0 : i32
    %run_scoped3A_62 = arith.constant 123 : i32
    "tpu.region"() ({
      %run_scoped3A_87 = tpu.sem_alloc : memref<!tpu.dma_semaphore, #tpu.memory_space<semaphore_mem>>
      %dma_start3A_88 = arith.constant 0 : i32
      %dma_start3A_89 = arith.constant 0 : i32
      %dma_start3A_90 = tpu.memref_slice %arg8[%run_scoped3A_61, %dma_start3A_88, %dma_start3A_89] : memref<3x80x128xf32, #tpu.memory_space<vmem>> -> memref<1x80x128xf32, #tpu.memory_space<vmem>>
      %dma_start3A_91 = tpu.memref_squeeze %dma_start3A_90 : memref<1x80x128xf32, #tpu.memory_space<vmem>> -> memref<80x128xf32, #tpu.memory_space<vmem>>
      %dma_start3A_92 = arith.constant 0 : i32
      %dma_start3A_93 = tpu.memref_slice %arg7[%run_scoped3A_62, %dma_start3A_92] : memref<125x80xi32, #tpu.memory_space<vmem>> -> memref<1x80xi32, #tpu.memory_space<vmem>>
      %dma_start3A_94 = tpu.memref_squeeze %dma_start3A_93 : memref<1x80xi32, #tpu.memory_space<vmem>> -> memref<80xi32, #tpu.memory_space<vmem>>
      %dma_start3A_95 = arith.constant 0 : i32
      %dma_start3A_96 = arith.constant 0 : i32
      %dma_start3A_97 = tpu.memref_slice %arg9[%dma_start3A_95, %dma_start3A_96] : memref<10000x128xf32, #tpu.memory_space<vmem_shared>> -> memref<10000x128xf32, #tpu.memory_space<vmem_shared>>
      tpu.enqueue_indirect_dma source(%dma_start3A_91 : memref<80x128xf32, #tpu.memory_space<vmem>>) target(%dma_start3A_97 : memref<10000x128xf32, #tpu.memory_space<vmem_shared>>) offsets(%dma_start3A_94 : memref<80xi32, #tpu.memory_space<vmem>>) semaphore(%run_scoped3A_87 : memref<!tpu.dma_semaphore, #tpu.memory_space<semaphore_mem>>) {add = true}
      %dma_wait3A_98 = arith.constant 0 : i32
      %dma_wait3A_99 = arith.constant 0 : i32
      %dma_wait3A_100 = tpu.memref_slice %arg8[%run_scoped3A_61, %dma_wait3A_98, %dma_wait3A_99] : memref<3x80x128xf32, #tpu.memory_space<vmem>> -> memref<1x80x128xf32, #tpu.memory_space<vmem>>
      %dma_wait3A_101 = tpu.memref_squeeze %dma_wait3A_100 : memref<1x80x128xf32, #tpu.memory_space<vmem>> -> memref<80x128xf32, #tpu.memory_space<vmem>>
      %dma_wait3A_102 = arith.constant 0 : i32
      %dma_wait3A_103 = tpu.memref_slice %arg7[%run_scoped3A_62, %dma_wait3A_102] : memref<125x80xi32, #tpu.memory_space<vmem>> -> memref<1x80xi32, #tpu.memory_space<vmem>>
      %dma_wait3A_104 = tpu.memref_squeeze %dma_wait3A_103 : memref<1x80xi32, #tpu.memory_space<vmem>> -> memref<80xi32, #tpu.memory_space<vmem>>
      %dma_wait3A_105 = arith.constant 0 : i32
      %dma_wait3A_106 = arith.constant 0 : i32
      %dma_wait3A_107 = tpu.memref_slice %arg9[%dma_wait3A_105, %dma_wait3A_106] : memref<10000x128xf32, #tpu.memory_space<vmem_shared>> -> memref<10000x128xf32, #tpu.memory_space<vmem_shared>>
      tpu.wait_indirect_dma semaphore(%run_scoped3A_87 : memref<!tpu.dma_semaphore, #tpu.memory_space<semaphore_mem>>) src(%dma_wait3A_101 : memref<80x128xf32, #tpu.memory_space<vmem>>) dst(%dma_wait3A_107 : memref<10000x128xf32, #tpu.memory_space<vmem_shared>>)
      tpu.yield
    }) : () -> ()
    %dma_wait3A_63 = arith.constant 124 : i32
    %dma_wait3A_64 = arith.constant 1 : i32
    %dma_wait3A_65 = arith.constant 0 : i32
    %dma_wait3A_66 = arith.constant 0 : i32
    %dma_wait3A_67 = tpu.memref_slice %arg8[%dma_wait3A_64, %dma_wait3A_65, %dma_wait3A_66] : memref<3x80x128xf32, #tpu.memory_space<vmem>> -> memref<1x80x128xf32, #tpu.memory_space<vmem>>
    %dma_wait3A_68 = tpu.memref_squeeze %dma_wait3A_67 : memref<1x80x128xf32, #tpu.memory_space<vmem>> -> memref<80x128xf32, #tpu.memory_space<vmem>>
    %dma_wait3A_69 = arith.constant 0 : i32
    %dma_wait3A_70 = tpu.memref_slice %arg6[%dma_wait3A_63, %dma_wait3A_69] : memref<125x80xi32, #tpu.memory_space<vmem>> -> memref<1x80xi32, #tpu.memory_space<vmem>>
    %dma_wait3A_71 = tpu.memref_squeeze %dma_wait3A_70 : memref<1x80xi32, #tpu.memory_space<vmem>> -> memref<80xi32, #tpu.memory_space<vmem>>
    %dma_wait3A_72 = arith.constant 0 : i32
    %dma_wait3A_73 = arith.constant 0 : i32
    %dma_wait3A_74 = tpu.memref_slice %arg2[%dma_wait3A_72, %dma_wait3A_73] : memref<10000x128xf32, #tpu.memory_space<hbm>> -> memref<10000x128xf32, #tpu.memory_space<hbm>>
    tpu.wait_indirect_dma semaphore(%arg11 : memref<!tpu.dma_semaphore, #tpu.memory_space<semaphore_mem>>) src(%dma_wait3A_74 : memref<10000x128xf32, #tpu.memory_space<hbm>>) dst(%dma_wait3A_68 : memref<80x128xf32, #tpu.memory_space<vmem>>)
    %run_scoped3A_75 = arith.constant 1 : i32
    %run_scoped3A_76 = arith.constant 124 : i32
    "tpu.region"() ({
      %run_scoped3A_87 = tpu.sem_alloc : memref<!tpu.dma_semaphore, #tpu.memory_space<semaphore_mem>>
      %dma_start3A_88 = arith.constant 0 : i32
      %dma_start3A_89 = arith.constant 0 : i32
      %dma_start3A_90 = tpu.memref_slice %arg8[%run_scoped3A_75, %dma_start3A_88, %dma_start3A_89] : memref<3x80x128xf32, #tpu.memory_space<vmem>> -> memref<1x80x128xf32, #tpu.memory_space<vmem>>
      %dma_start3A_91 = tpu.memref_squeeze %dma_start3A_90 : memref<1x80x128xf32, #tpu.memory_space<vmem>> -> memref<80x128xf32, #tpu.memory_space<vmem>>
      %dma_start3A_92 = arith.constant 0 : i32
      %dma_start3A_93 = tpu.memref_slice %arg7[%run_scoped3A_76, %dma_start3A_92] : memref<125x80xi32, #tpu.memory_space<vmem>> -> memref<1x80xi32, #tpu.memory_space<vmem>>
      %dma_start3A_94 = tpu.memref_squeeze %dma_start3A_93 : memref<1x80xi32, #tpu.memory_space<vmem>> -> memref<80xi32, #tpu.memory_space<vmem>>
      %dma_start3A_95 = arith.constant 0 : i32
      %dma_start3A_96 = arith.constant 0 : i32
      %dma_start3A_97 = tpu.memref_slice %arg9[%dma_start3A_95, %dma_start3A_96] : memref<10000x128xf32, #tpu.memory_space<vmem_shared>> -> memref<10000x128xf32, #tpu.memory_space<vmem_shared>>
      tpu.enqueue_indirect_dma source(%dma_start3A_91 : memref<80x128xf32, #tpu.memory_space<vmem>>) target(%dma_start3A_97 : memref<10000x128xf32, #tpu.memory_space<vmem_shared>>) offsets(%dma_start3A_94 : memref<80xi32, #tpu.memory_space<vmem>>) semaphore(%run_scoped3A_87 : memref<!tpu.dma_semaphore, #tpu.memory_space<semaphore_mem>>) {add = true}
      %dma_wait3A_98 = arith.constant 0 : i32
      %dma_wait3A_99 = arith.constant 0 : i32
      %dma_wait3A_100 = tpu.memref_slice %arg8[%run_scoped3A_75, %dma_wait3A_98, %dma_wait3A_99] : memref<3x80x128xf32, #tpu.memory_space<vmem>> -> memref<1x80x128xf32, #tpu.memory_space<vmem>>
      %dma_wait3A_101 = tpu.memref_squeeze %dma_wait3A_100 : memref<1x80x128xf32, #tpu.memory_space<vmem>> -> memref<80x128xf32, #tpu.memory_space<vmem>>
      %dma_wait3A_102 = arith.constant 0 : i32
      %dma_wait3A_103 = tpu.memref_slice %arg7[%run_scoped3A_76, %dma_wait3A_102] : memref<125x80xi32, #tpu.memory_space<vmem>> -> memref<1x80xi32, #tpu.memory_space<vmem>>
      %dma_wait3A_104 = tpu.memref_squeeze %dma_wait3A_103 : memref<1x80xi32, #tpu.memory_space<vmem>> -> memref<80xi32, #tpu.memory_space<vmem>>
      %dma_wait3A_105 = arith.constant 0 : i32
      %dma_wait3A_106 = arith.constant 0 : i32
      %dma_wait3A_107 = tpu.memref_slice %arg9[%dma_wait3A_105, %dma_wait3A_106] : memref<10000x128xf32, #tpu.memory_space<vmem_shared>> -> memref<10000x128xf32, #tpu.memory_space<vmem_shared>>
      tpu.wait_indirect_dma semaphore(%run_scoped3A_87 : memref<!tpu.dma_semaphore, #tpu.memory_space<semaphore_mem>>) src(%dma_wait3A_101 : memref<80x128xf32, #tpu.memory_space<vmem>>) dst(%dma_wait3A_107 : memref<10000x128xf32, #tpu.memory_space<vmem_shared>>)
      tpu.yield
    }) : () -> ()
    %barrier3A_77 = arith.constant 0 : index
    tpu.barrier barrier_id(%barrier3A_77)
    %mul3A_78 = arith.constant 624 : i32
    %mul3A_79 = arith.muli %arg1, %mul3A_78 : i32
    %mul3A_80 = arith.constant 624 : i32
    %mul3A_81 = arith.muli %arg1, %mul3A_80 : i32
    "tpu.region"() ({
      %run_scoped3A_87 = tpu.sem_alloc : memref<!tpu.dma_semaphore, #tpu.memory_space<semaphore_mem>>
      %dma_start3A_88 = arith.constant 0 : i32
      %dma_start3A_89 = tpu.memref_slice %arg5[%arg0, %mul3A_81, %dma_start3A_88] : memref<2x10000x128xf32, #tpu.memory_space<hbm>> -> memref<1x624x128xf32, #tpu.memory_space<hbm>>
      %dma_start3A_90 = tpu.memref_squeeze %dma_start3A_89 : memref<1x624x128xf32, #tpu.memory_space<hbm>> -> memref<624x128xf32, #tpu.memory_space<hbm>>
      %dma_start3A_91 = arith.constant 0 : i32
      %dma_start3A_92 = tpu.memref_slice %arg9[%mul3A_79, %dma_start3A_91] : memref<10000x128xf32, #tpu.memory_space<vmem_shared>> -> memref<624x128xf32, #tpu.memory_space<vmem_shared>>
      tpu.enqueue_dma source(%dma_start3A_92 : memref<624x128xf32, #tpu.memory_space<vmem_shared>>) target(%dma_start3A_90 : memref<624x128xf32, #tpu.memory_space<hbm>>) target_semaphore(%run_scoped3A_87 : memref<!tpu.dma_semaphore, #tpu.memory_space<semaphore_mem>>)
      %dma_wait3A_93 = arith.constant 0 : i32
      %dma_wait3A_94 = tpu.memref_slice %arg5[%arg0, %mul3A_81, %dma_wait3A_93] : memref<2x10000x128xf32, #tpu.memory_space<hbm>> -> memref<1x624x128xf32, #tpu.memory_space<hbm>>
      %dma_wait3A_95 = tpu.memref_squeeze %dma_wait3A_94 : memref<1x624x128xf32, #tpu.memory_space<hbm>> -> memref<624x128xf32, #tpu.memory_space<hbm>>
      %dma_wait3A_96 = arith.constant 0 : i32
      %dma_wait3A_97 = tpu.memref_slice %arg9[%mul3A_79, %dma_wait3A_96] : memref<10000x128xf32, #tpu.memory_space<vmem_shared>> -> memref<624x128xf32, #tpu.memory_space<vmem_shared>>
      tpu.wait_dma2 semaphore(%run_scoped3A_87 : memref<!tpu.dma_semaphore, #tpu.memory_space<semaphore_mem>>) src(%dma_wait3A_97 : memref<624x128xf32, #tpu.memory_space<vmem_shared>>) dst(%dma_wait3A_95 : memref<624x128xf32, #tpu.memory_space<hbm>>)
      tpu.yield
    }) : () -> ()
    %eq3A_82 = arith.constant 15 : i32
    %eq3A_83 = arith.cmpi eq, %arg1, %eq3A_82 : i32
    %convert_element_type3A_84 = arith.extui %eq3A_83 : i1 to i32
    %cond3A_85 = arith.constant 0 : i32
    %cond3A_86 = arith.cmpi ne, %convert_element_type3A_84, %cond3A_85 : i32
    scf.if %cond3A_86 {
      "tpu.region"() ({
        %run_scoped3A_87 = tpu.sem_alloc : memref<!tpu.dma_semaphore, #tpu.memory_space<semaphore_mem>>
        %dma_start3A_88 = arith.constant 9984 : i32
        %dma_start3A_89 = arith.constant 0 : i32
        %dma_start3A_90 = tpu.memref_slice %arg5[%arg0, %dma_start3A_88, %dma_start3A_89] : memref<2x10000x128xf32, #tpu.memory_space<hbm>> -> memref<1x16x128xf32, #tpu.memory_space<hbm>>
        %dma_start3A_91 = tpu.memref_squeeze %dma_start3A_90 : memref<1x16x128xf32, #tpu.memory_space<hbm>> -> memref<16x128xf32, #tpu.memory_space<hbm>>
        %dma_start3A_92 = arith.constant 9984 : i32
        %dma_start3A_93 = arith.constant 0 : i32
        %dma_start3A_94 = tpu.memref_slice %arg9[%dma_start3A_92, %dma_start3A_93] : memref<10000x128xf32, #tpu.memory_space<vmem_shared>> -> memref<16x128xf32, #tpu.memory_space<vmem_shared>>
        tpu.enqueue_dma source(%dma_start3A_94 : memref<16x128xf32, #tpu.memory_space<vmem_shared>>) target(%dma_start3A_91 : memref<16x128xf32, #tpu.memory_space<hbm>>) target_semaphore(%run_scoped3A_87 : memref<!tpu.dma_semaphore, #tpu.memory_space<semaphore_mem>>)
        %dma_wait3A_95 = arith.constant 9984 : i32
        %dma_wait3A_96 = arith.constant 0 : i32
        %dma_wait3A_97 = tpu.memref_slice %arg5[%arg0, %dma_wait3A_95, %dma_wait3A_96] : memref<2x10000x128xf32, #tpu.memory_space<hbm>> -> memref<1x16x128xf32, #tpu.memory_space<hbm>>
        %dma_wait3A_98 = tpu.memref_squeeze %dma_wait3A_97 : memref<1x16x128xf32, #tpu.memory_space<hbm>> -> memref<16x128xf32, #tpu.memory_space<hbm>>
        %dma_wait3A_99 = arith.constant 9984 : i32
        %dma_wait3A_100 = arith.constant 0 : i32
        %dma_wait3A_101 = tpu.memref_slice %arg9[%dma_wait3A_99, %dma_wait3A_100] : memref<10000x128xf32, #tpu.memory_space<vmem_shared>> -> memref<16x128xf32, #tpu.memory_space<vmem_shared>>
        tpu.wait_dma2 semaphore(%run_scoped3A_87 : memref<!tpu.dma_semaphore, #tpu.memory_space<semaphore_mem>>) src(%dma_wait3A_101 : memref<16x128xf32, #tpu.memory_space<vmem_shared>>) dst(%dma_wait3A_98 : memref<16x128xf32, #tpu.memory_space<hbm>>)
        tpu.yield
      }) : () -> ()
    } else {
    }
    return
  }
}

#map = affine_map<(d0, d1) -> (0, 0)>
#map1 = affine_map<(d0, d1) -> (0, 0, 0)>
module attributes {stable_mosaic.version = 14 : i64} {
  func.func @_scatter(%arg0: i32, %arg1: i32, %arg2: memref<10000x64xf32, #tpu.memory_space<hbm>>, %arg3: memref<2x4000x80xi32, #tpu.memory_space<hbm>>, %arg4: memref<625x64xf32, #tpu.memory_space<hbm>>, %arg5: memref<2x10000x64xf32, #tpu.memory_space<hbm>>, %arg6: memref<125x80xi32, #tpu.memory_space<vmem>>, %arg7: memref<125x80xi32, #tpu.memory_space<vmem>>, %arg8: memref<5x80x64xf32, #tpu.memory_space<vmem>>, %arg9: memref<10000x64xf32, #tpu.memory_space<vmem_shared>>, %arg10: memref<!tpu.dma_semaphore, #tpu.memory_space<semaphore_mem>>, %arg11: memref<!tpu.dma_semaphore, #tpu.memory_space<semaphore_mem>>, %arg12: memref<!tpu.dma_semaphore, #tpu.memory_space<semaphore_mem>>, %arg13: memref<!tpu.dma_semaphore, #tpu.memory_space<semaphore_mem>>, %arg14: memref<!tpu.dma_semaphore, #tpu.memory_space<semaphore_mem>>) attributes {dimension_semantics = [#tpu.dimension_semantics<core_parallel>, #tpu.dimension_semantics<subcore_parallel>], iteration_bounds = array<i64: 2, 16>, scalar_prefetch = 0 : i64, scratch_operands = 9 : i64, tpu.core_type = #tpu.core_type<sc_vector_subcore>, window_params = [{transform_indices = #map}, {transform_indices = #map1}, {transform_indices = #map}, {transform_indices = #map1}]} {
    %mul3A = arith.constant 16 : i32
    %mul3A_0 = arith.muli %arg0, %mul3A : i32
    %add3A = arith.addi %mul3A_0, %arg1 : i32
    %mul3A_1 = arith.constant 624 : i32
    %mul3A_2 = arith.muli %arg1, %mul3A_1 : i32
    "tpu.region"() ({
      %run_scoped3A_84 = tpu.sem_alloc : memref<!tpu.dma_semaphore, #tpu.memory_space<semaphore_mem>>
      %dma_start3A_85 = arith.constant 0 : i32
      %dma_start3A_86 = tpu.memref_slice %arg9[%mul3A_2, %dma_start3A_85] : memref<10000x64xf32, #tpu.memory_space<vmem_shared>> -> memref<624x64xf32, #tpu.memory_space<vmem_shared>>
      %dma_start3A_87 = arith.constant 0 : i32
      %dma_start3A_88 = arith.constant 0 : i32
      %dma_start3A_89 = tpu.memref_slice %arg4[%dma_start3A_87, %dma_start3A_88] : memref<625x64xf32, #tpu.memory_space<hbm>> -> memref<624x64xf32, #tpu.memory_space<hbm>>
      tpu.enqueue_dma source(%dma_start3A_89 : memref<624x64xf32, #tpu.memory_space<hbm>>) target(%dma_start3A_86 : memref<624x64xf32, #tpu.memory_space<vmem_shared>>) target_semaphore(%run_scoped3A_84 : memref<!tpu.dma_semaphore, #tpu.memory_space<semaphore_mem>>)
      %dma_wait3A = arith.constant 0 : i32
      %dma_wait3A_90 = tpu.memref_slice %arg9[%mul3A_2, %dma_wait3A] : memref<10000x64xf32, #tpu.memory_space<vmem_shared>> -> memref<624x64xf32, #tpu.memory_space<vmem_shared>>
      %dma_wait3A_91 = arith.constant 0 : i32
      %dma_wait3A_92 = arith.constant 0 : i32
      %dma_wait3A_93 = tpu.memref_slice %arg4[%dma_wait3A_91, %dma_wait3A_92] : memref<625x64xf32, #tpu.memory_space<hbm>> -> memref<624x64xf32, #tpu.memory_space<hbm>>
      tpu.wait_dma2 semaphore(%run_scoped3A_84 : memref<!tpu.dma_semaphore, #tpu.memory_space<semaphore_mem>>) src(%dma_wait3A_93 : memref<624x64xf32, #tpu.memory_space<hbm>>) dst(%dma_wait3A_90 : memref<624x64xf32, #tpu.memory_space<vmem_shared>>)
      tpu.yield
    }) : () -> ()
    %eq3A = arith.constant 15 : i32
    %eq3A_3 = arith.cmpi eq, %arg1, %eq3A : i32
    %convert_element_type3A = arith.extui %eq3A_3 : i1 to i32
    %cond3A = arith.constant 0 : i32
    %cond3A_4 = arith.cmpi ne, %convert_element_type3A, %cond3A : i32
    scf.if %cond3A_4 {
      "tpu.region"() ({
        %run_scoped3A_84 = tpu.sem_alloc : memref<!tpu.dma_semaphore, #tpu.memory_space<semaphore_mem>>
        %dma_start3A_85 = arith.constant 9984 : i32
        %dma_start3A_86 = arith.constant 0 : i32
        %dma_start3A_87 = tpu.memref_slice %arg9[%dma_start3A_85, %dma_start3A_86] : memref<10000x64xf32, #tpu.memory_space<vmem_shared>> -> memref<16x64xf32, #tpu.memory_space<vmem_shared>>
        %dma_start3A_88 = arith.constant 0 : i32
        %dma_start3A_89 = arith.constant 0 : i32
        %dma_start3A_90 = tpu.memref_slice %arg4[%dma_start3A_88, %dma_start3A_89] : memref<625x64xf32, #tpu.memory_space<hbm>> -> memref<16x64xf32, #tpu.memory_space<hbm>>
        tpu.enqueue_dma source(%dma_start3A_90 : memref<16x64xf32, #tpu.memory_space<hbm>>) target(%dma_start3A_87 : memref<16x64xf32, #tpu.memory_space<vmem_shared>>) target_semaphore(%run_scoped3A_84 : memref<!tpu.dma_semaphore, #tpu.memory_space<semaphore_mem>>)
        %dma_wait3A = arith.constant 9984 : i32
        %dma_wait3A_91 = arith.constant 0 : i32
        %dma_wait3A_92 = tpu.memref_slice %arg9[%dma_wait3A, %dma_wait3A_91] : memref<10000x64xf32, #tpu.memory_space<vmem_shared>> -> memref<16x64xf32, #tpu.memory_space<vmem_shared>>
        %dma_wait3A_93 = arith.constant 0 : i32
        %dma_wait3A_94 = arith.constant 0 : i32
        %dma_wait3A_95 = tpu.memref_slice %arg4[%dma_wait3A_93, %dma_wait3A_94] : memref<625x64xf32, #tpu.memory_space<hbm>> -> memref<16x64xf32, #tpu.memory_space<hbm>>
        tpu.wait_dma2 semaphore(%run_scoped3A_84 : memref<!tpu.dma_semaphore, #tpu.memory_space<semaphore_mem>>) src(%dma_wait3A_95 : memref<16x64xf32, #tpu.memory_space<hbm>>) dst(%dma_wait3A_92 : memref<16x64xf32, #tpu.memory_space<vmem_shared>>)
        tpu.yield
      }) : () -> ()
    } else {
    }
    %mul3A_5 = arith.constant 125 : i32
    %mul3A_6 = arith.muli %add3A, %mul3A_5 : i32
    %run_scoped3A = arith.constant 0 : i32
    "tpu.region"() ({
      %run_scoped3A_84 = tpu.sem_alloc : memref<!tpu.dma_semaphore, #tpu.memory_space<semaphore_mem>>
      %dma_start3A_85 = arith.constant 0 : i32
      %dma_start3A_86 = tpu.memref_slice %arg3[%run_scoped3A, %mul3A_6, %dma_start3A_85] : memref<2x4000x80xi32, #tpu.memory_space<hbm>> -> memref<1x125x80xi32, #tpu.memory_space<hbm>>
      %dma_start3A_87 = tpu.memref_squeeze %dma_start3A_86 : memref<1x125x80xi32, #tpu.memory_space<hbm>> -> memref<125x80xi32, #tpu.memory_space<hbm>>
      %dma_start3A_88 = arith.constant 0 : i32
      %dma_start3A_89 = tpu.memref_slice %arg3[%run_scoped3A, %mul3A_6, %dma_start3A_88] : memref<2x4000x80xi32, #tpu.memory_space<hbm>> -> memref<1x125x80xi32, #tpu.memory_space<hbm>>
      %dma_start3A_90 = tpu.memref_squeeze %dma_start3A_89 : memref<1x125x80xi32, #tpu.memory_space<hbm>> -> memref<125x80xi32, #tpu.memory_space<hbm>>
      tpu.enqueue_dma source(%dma_start3A_90 : memref<125x80xi32, #tpu.memory_space<hbm>>) target(%arg6 : memref<125x80xi32, #tpu.memory_space<vmem>>) target_semaphore(%run_scoped3A_84 : memref<!tpu.dma_semaphore, #tpu.memory_space<semaphore_mem>>)
      %dma_wait3A = arith.constant 0 : i32
      %dma_wait3A_91 = tpu.memref_slice %arg3[%run_scoped3A, %mul3A_6, %dma_wait3A] : memref<2x4000x80xi32, #tpu.memory_space<hbm>> -> memref<1x125x80xi32, #tpu.memory_space<hbm>>
      %dma_wait3A_92 = tpu.memref_squeeze %dma_wait3A_91 : memref<1x125x80xi32, #tpu.memory_space<hbm>> -> memref<125x80xi32, #tpu.memory_space<hbm>>
      %dma_wait3A_93 = arith.constant 0 : i32
      %dma_wait3A_94 = tpu.memref_slice %arg3[%run_scoped3A, %mul3A_6, %dma_wait3A_93] : memref<2x4000x80xi32, #tpu.memory_space<hbm>> -> memref<1x125x80xi32, #tpu.memory_space<hbm>>
      %dma_wait3A_95 = tpu.memref_squeeze %dma_wait3A_94 : memref<1x125x80xi32, #tpu.memory_space<hbm>> -> memref<125x80xi32, #tpu.memory_space<hbm>>
      tpu.wait_dma2 semaphore(%run_scoped3A_84 : memref<!tpu.dma_semaphore, #tpu.memory_space<semaphore_mem>>) src(%dma_wait3A_95 : memref<125x80xi32, #tpu.memory_space<hbm>>) dst(%arg6 : memref<125x80xi32, #tpu.memory_space<vmem>>)
      tpu.yield
    }) : () -> ()
    %mul3A_7 = arith.constant 125 : i32
    %mul3A_8 = arith.muli %add3A, %mul3A_7 : i32
    %run_scoped3A_9 = arith.constant 1 : i32
    "tpu.region"() ({
      %run_scoped3A_84 = tpu.sem_alloc : memref<!tpu.dma_semaphore, #tpu.memory_space<semaphore_mem>>
      %dma_start3A_85 = arith.constant 0 : i32
      %dma_start3A_86 = tpu.memref_slice %arg3[%run_scoped3A_9, %mul3A_8, %dma_start3A_85] : memref<2x4000x80xi32, #tpu.memory_space<hbm>> -> memref<1x125x80xi32, #tpu.memory_space<hbm>>
      %dma_start3A_87 = tpu.memref_squeeze %dma_start3A_86 : memref<1x125x80xi32, #tpu.memory_space<hbm>> -> memref<125x80xi32, #tpu.memory_space<hbm>>
      %dma_start3A_88 = arith.constant 0 : i32
      %dma_start3A_89 = tpu.memref_slice %arg3[%run_scoped3A_9, %mul3A_8, %dma_start3A_88] : memref<2x4000x80xi32, #tpu.memory_space<hbm>> -> memref<1x125x80xi32, #tpu.memory_space<hbm>>
      %dma_start3A_90 = tpu.memref_squeeze %dma_start3A_89 : memref<1x125x80xi32, #tpu.memory_space<hbm>> -> memref<125x80xi32, #tpu.memory_space<hbm>>
      tpu.enqueue_dma source(%dma_start3A_90 : memref<125x80xi32, #tpu.memory_space<hbm>>) target(%arg7 : memref<125x80xi32, #tpu.memory_space<vmem>>) target_semaphore(%run_scoped3A_84 : memref<!tpu.dma_semaphore, #tpu.memory_space<semaphore_mem>>)
      %dma_wait3A = arith.constant 0 : i32
      %dma_wait3A_91 = tpu.memref_slice %arg3[%run_scoped3A_9, %mul3A_8, %dma_wait3A] : memref<2x4000x80xi32, #tpu.memory_space<hbm>> -> memref<1x125x80xi32, #tpu.memory_space<hbm>>
      %dma_wait3A_92 = tpu.memref_squeeze %dma_wait3A_91 : memref<1x125x80xi32, #tpu.memory_space<hbm>> -> memref<125x80xi32, #tpu.memory_space<hbm>>
      %dma_wait3A_93 = arith.constant 0 : i32
      %dma_wait3A_94 = tpu.memref_slice %arg3[%run_scoped3A_9, %mul3A_8, %dma_wait3A_93] : memref<2x4000x80xi32, #tpu.memory_space<hbm>> -> memref<1x125x80xi32, #tpu.memory_space<hbm>>
      %dma_wait3A_95 = tpu.memref_squeeze %dma_wait3A_94 : memref<1x125x80xi32, #tpu.memory_space<hbm>> -> memref<125x80xi32, #tpu.memory_space<hbm>>
      tpu.wait_dma2 semaphore(%run_scoped3A_84 : memref<!tpu.dma_semaphore, #tpu.memory_space<semaphore_mem>>) src(%dma_wait3A_95 : memref<125x80xi32, #tpu.memory_space<hbm>>) dst(%arg7 : memref<125x80xi32, #tpu.memory_space<vmem>>)
      tpu.yield
    }) : () -> ()
    %barrier3A = arith.constant 0 : index
    tpu.barrier barrier_id(%barrier3A)
    %dma_start3A = arith.constant 0 : i32
    %dma_start3A_10 = arith.constant 0 : i32
    %dma_start3A_11 = arith.constant 0 : i32
    %dma_start3A_12 = arith.constant 0 : i32
    %dma_start3A_13 = tpu.memref_slice %arg8[%dma_start3A_10, %dma_start3A_11, %dma_start3A_12] : memref<5x80x64xf32, #tpu.memory_space<vmem>> -> memref<1x80x64xf32, #tpu.memory_space<vmem>>
    %dma_start3A_14 = tpu.memref_squeeze %dma_start3A_13 : memref<1x80x64xf32, #tpu.memory_space<vmem>> -> memref<80x64xf32, #tpu.memory_space<vmem>>
    %dma_start3A_15 = arith.constant 0 : i32
    %dma_start3A_16 = tpu.memref_slice %arg6[%dma_start3A, %dma_start3A_15] : memref<125x80xi32, #tpu.memory_space<vmem>> -> memref<1x80xi32, #tpu.memory_space<vmem>>
    %dma_start3A_17 = tpu.memref_squeeze %dma_start3A_16 : memref<1x80xi32, #tpu.memory_space<vmem>> -> memref<80xi32, #tpu.memory_space<vmem>>
    %dma_start3A_18 = arith.constant 0 : i32
    %dma_start3A_19 = arith.constant 0 : i32
    %dma_start3A_20 = tpu.memref_slice %arg2[%dma_start3A_18, %dma_start3A_19] : memref<10000x64xf32, #tpu.memory_space<hbm>> -> memref<10000x64xf32, #tpu.memory_space<hbm>>
    tpu.enqueue_indirect_dma source(%dma_start3A_20 : memref<10000x64xf32, #tpu.memory_space<hbm>>) target(%dma_start3A_14 : memref<80x64xf32, #tpu.memory_space<vmem>>) offsets(%dma_start3A_17 : memref<80xi32, #tpu.memory_space<vmem>>) semaphore(%arg10 : memref<!tpu.dma_semaphore, #tpu.memory_space<semaphore_mem>>)
    %dma_start3A_21 = arith.constant 1 : i32
    %dma_start3A_22 = arith.constant 1 : i32
    %dma_start3A_23 = arith.constant 0 : i32
    %dma_start3A_24 = arith.constant 0 : i32
    %dma_start3A_25 = tpu.memref_slice %arg8[%dma_start3A_22, %dma_start3A_23, %dma_start3A_24] : memref<5x80x64xf32, #tpu.memory_space<vmem>> -> memref<1x80x64xf32, #tpu.memory_space<vmem>>
    %dma_start3A_26 = tpu.memref_squeeze %dma_start3A_25 : memref<1x80x64xf32, #tpu.memory_space<vmem>> -> memref<80x64xf32, #tpu.memory_space<vmem>>
    %dma_start3A_27 = arith.constant 0 : i32
    %dma_start3A_28 = tpu.memref_slice %arg6[%dma_start3A_21, %dma_start3A_27] : memref<125x80xi32, #tpu.memory_space<vmem>> -> memref<1x80xi32, #tpu.memory_space<vmem>>
    %dma_start3A_29 = tpu.memref_squeeze %dma_start3A_28 : memref<1x80xi32, #tpu.memory_space<vmem>> -> memref<80xi32, #tpu.memory_space<vmem>>
    %dma_start3A_30 = arith.constant 0 : i32
    %dma_start3A_31 = arith.constant 0 : i32
    %dma_start3A_32 = tpu.memref_slice %arg2[%dma_start3A_30, %dma_start3A_31] : memref<10000x64xf32, #tpu.memory_space<hbm>> -> memref<10000x64xf32, #tpu.memory_space<hbm>>
    tpu.enqueue_indirect_dma source(%dma_start3A_32 : memref<10000x64xf32, #tpu.memory_space<hbm>>) target(%dma_start3A_26 : memref<80x64xf32, #tpu.memory_space<vmem>>) offsets(%dma_start3A_29 : memref<80xi32, #tpu.memory_space<vmem>>) semaphore(%arg11 : memref<!tpu.dma_semaphore, #tpu.memory_space<semaphore_mem>>)
    %dma_start3A_33 = arith.constant 2 : i32
    %dma_start3A_34 = arith.constant 2 : i32
    %dma_start3A_35 = arith.constant 0 : i32
    %dma_start3A_36 = arith.constant 0 : i32
    %dma_start3A_37 = tpu.memref_slice %arg8[%dma_start3A_34, %dma_start3A_35, %dma_start3A_36] : memref<5x80x64xf32, #tpu.memory_space<vmem>> -> memref<1x80x64xf32, #tpu.memory_space<vmem>>
    %dma_start3A_38 = tpu.memref_squeeze %dma_start3A_37 : memref<1x80x64xf32, #tpu.memory_space<vmem>> -> memref<80x64xf32, #tpu.memory_space<vmem>>
    %dma_start3A_39 = arith.constant 0 : i32
    %dma_start3A_40 = tpu.memref_slice %arg6[%dma_start3A_33, %dma_start3A_39] : memref<125x80xi32, #tpu.memory_space<vmem>> -> memref<1x80xi32, #tpu.memory_space<vmem>>
    %dma_start3A_41 = tpu.memref_squeeze %dma_start3A_40 : memref<1x80xi32, #tpu.memory_space<vmem>> -> memref<80xi32, #tpu.memory_space<vmem>>
    %dma_start3A_42 = arith.constant 0 : i32
    %dma_start3A_43 = arith.constant 0 : i32
    %dma_start3A_44 = tpu.memref_slice %arg2[%dma_start3A_42, %dma_start3A_43] : memref<10000x64xf32, #tpu.memory_space<hbm>> -> memref<10000x64xf32, #tpu.memory_space<hbm>>
    tpu.enqueue_indirect_dma source(%dma_start3A_44 : memref<10000x64xf32, #tpu.memory_space<hbm>>) target(%dma_start3A_38 : memref<80x64xf32, #tpu.memory_space<vmem>>) offsets(%dma_start3A_41 : memref<80xi32, #tpu.memory_space<vmem>>) semaphore(%arg12 : memref<!tpu.dma_semaphore, #tpu.memory_space<semaphore_mem>>)
    %dma_start3A_45 = arith.constant 3 : i32
    %dma_start3A_46 = arith.constant 3 : i32
    %dma_start3A_47 = arith.constant 0 : i32
    %dma_start3A_48 = arith.constant 0 : i32
    %dma_start3A_49 = tpu.memref_slice %arg8[%dma_start3A_46, %dma_start3A_47, %dma_start3A_48] : memref<5x80x64xf32, #tpu.memory_space<vmem>> -> memref<1x80x64xf32, #tpu.memory_space<vmem>>
    %dma_start3A_50 = tpu.memref_squeeze %dma_start3A_49 : memref<1x80x64xf32, #tpu.memory_space<vmem>> -> memref<80x64xf32, #tpu.memory_space<vmem>>
    %dma_start3A_51 = arith.constant 0 : i32
    %dma_start3A_52 = tpu.memref_slice %arg6[%dma_start3A_45, %dma_start3A_51] : memref<125x80xi32, #tpu.memory_space<vmem>> -> memref<1x80xi32, #tpu.memory_space<vmem>>
    %dma_start3A_53 = tpu.memref_squeeze %dma_start3A_52 : memref<1x80xi32, #tpu.memory_space<vmem>> -> memref<80xi32, #tpu.memory_space<vmem>>
    %dma_start3A_54 = arith.constant 0 : i32
    %dma_start3A_55 = arith.constant 0 : i32
    %dma_start3A_56 = tpu.memref_slice %arg2[%dma_start3A_54, %dma_start3A_55] : memref<10000x64xf32, #tpu.memory_space<hbm>> -> memref<10000x64xf32, #tpu.memory_space<hbm>>
    tpu.enqueue_indirect_dma source(%dma_start3A_56 : memref<10000x64xf32, #tpu.memory_space<hbm>>) target(%dma_start3A_50 : memref<80x64xf32, #tpu.memory_space<vmem>>) offsets(%dma_start3A_53 : memref<80xi32, #tpu.memory_space<vmem>>) semaphore(%arg13 : memref<!tpu.dma_semaphore, #tpu.memory_space<semaphore_mem>>)
    %dma_start3A_57 = arith.constant 4 : i32
    %dma_start3A_58 = arith.constant 4 : i32
    %dma_start3A_59 = arith.constant 0 : i32
    %dma_start3A_60 = arith.constant 0 : i32
    %dma_start3A_61 = tpu.memref_slice %arg8[%dma_start3A_58, %dma_start3A_59, %dma_start3A_60] : memref<5x80x64xf32, #tpu.memory_space<vmem>> -> memref<1x80x64xf32, #tpu.memory_space<vmem>>
    %dma_start3A_62 = tpu.memref_squeeze %dma_start3A_61 : memref<1x80x64xf32, #tpu.memory_space<vmem>> -> memref<80x64xf32, #tpu.memory_space<vmem>>
    %dma_start3A_63 = arith.constant 0 : i32
    %dma_start3A_64 = tpu.memref_slice %arg6[%dma_start3A_57, %dma_start3A_63] : memref<125x80xi32, #tpu.memory_space<vmem>> -> memref<1x80xi32, #tpu.memory_space<vmem>>
    %dma_start3A_65 = tpu.memref_squeeze %dma_start3A_64 : memref<1x80xi32, #tpu.memory_space<vmem>> -> memref<80xi32, #tpu.memory_space<vmem>>
    %dma_start3A_66 = arith.constant 0 : i32
    %dma_start3A_67 = arith.constant 0 : i32
    %dma_start3A_68 = tpu.memref_slice %arg2[%dma_start3A_66, %dma_start3A_67] : memref<10000x64xf32, #tpu.memory_space<hbm>> -> memref<10000x64xf32, #tpu.memory_space<hbm>>
    tpu.enqueue_indirect_dma source(%dma_start3A_68 : memref<10000x64xf32, #tpu.memory_space<hbm>>) target(%dma_start3A_62 : memref<80x64xf32, #tpu.memory_space<vmem>>) offsets(%dma_start3A_65 : memref<80xi32, #tpu.memory_space<vmem>>) semaphore(%arg14 : memref<!tpu.dma_semaphore, #tpu.memory_space<semaphore_mem>>)
    %scan3A = arith.constant 0 : i32
    %scan3A_69 = arith.constant 0 : i32
    %scan3A_70 = arith.constant 25 : i32
    %scan3A_71 = arith.addi %scan3A_69, %scan3A_70 : i32
    %scan3A_72 = arith.constant 1 : i32
    scf.for %scan3A_84 = %scan3A_69 to %scan3A_71 step %scan3A_72  : i32 {
      %mul3A_85 = arith.constant 5 : i32
      %mul3A_86 = arith.muli %scan3A_84, %mul3A_85 : i32
      %add3A_87 = arith.constant 0 : i32
      %add3A_88 = arith.addi %mul3A_86, %add3A_87 : i32
      %dma_wait3A = arith.constant 0 : i32
      %dma_wait3A_89 = arith.constant 0 : i32
      %dma_wait3A_90 = arith.constant 0 : i32
      %dma_wait3A_91 = tpu.memref_slice %arg8[%dma_wait3A, %dma_wait3A_89, %dma_wait3A_90] : memref<5x80x64xf32, #tpu.memory_space<vmem>> -> memref<1x80x64xf32, #tpu.memory_space<vmem>>
      %dma_wait3A_92 = tpu.memref_squeeze %dma_wait3A_91 : memref<1x80x64xf32, #tpu.memory_space<vmem>> -> memref<80x64xf32, #tpu.memory_space<vmem>>
      %dma_wait3A_93 = arith.constant 0 : i32
      %dma_wait3A_94 = tpu.memref_slice %arg6[%add3A_88, %dma_wait3A_93] : memref<125x80xi32, #tpu.memory_space<vmem>> -> memref<1x80xi32, #tpu.memory_space<vmem>>
      %dma_wait3A_95 = tpu.memref_squeeze %dma_wait3A_94 : memref<1x80xi32, #tpu.memory_space<vmem>> -> memref<80xi32, #tpu.memory_space<vmem>>
      %dma_wait3A_96 = arith.constant 0 : i32
      %dma_wait3A_97 = arith.constant 0 : i32
      %dma_wait3A_98 = tpu.memref_slice %arg2[%dma_wait3A_96, %dma_wait3A_97] : memref<10000x64xf32, #tpu.memory_space<hbm>> -> memref<10000x64xf32, #tpu.memory_space<hbm>>
      tpu.wait_indirect_dma semaphore(%arg10 : memref<!tpu.dma_semaphore, #tpu.memory_space<semaphore_mem>>) src(%dma_wait3A_98 : memref<10000x64xf32, #tpu.memory_space<hbm>>) dst(%dma_wait3A_92 : memref<80x64xf32, #tpu.memory_space<vmem>>)
      %run_scoped3A_99 = arith.constant 0 : i32
      "tpu.region"() ({
        %run_scoped3A_198 = tpu.sem_alloc : memref<!tpu.dma_semaphore, #tpu.memory_space<semaphore_mem>>
        %dma_start3A_199 = arith.constant 0 : i32
        %dma_start3A_200 = arith.constant 0 : i32
        %dma_start3A_201 = tpu.memref_slice %arg8[%run_scoped3A_99, %dma_start3A_199, %dma_start3A_200] : memref<5x80x64xf32, #tpu.memory_space<vmem>> -> memref<1x80x64xf32, #tpu.memory_space<vmem>>
        %dma_start3A_202 = tpu.memref_squeeze %dma_start3A_201 : memref<1x80x64xf32, #tpu.memory_space<vmem>> -> memref<80x64xf32, #tpu.memory_space<vmem>>
        %dma_start3A_203 = arith.constant 0 : i32
        %dma_start3A_204 = tpu.memref_slice %arg7[%add3A_88, %dma_start3A_203] : memref<125x80xi32, #tpu.memory_space<vmem>> -> memref<1x80xi32, #tpu.memory_space<vmem>>
        %dma_start3A_205 = tpu.memref_squeeze %dma_start3A_204 : memref<1x80xi32, #tpu.memory_space<vmem>> -> memref<80xi32, #tpu.memory_space<vmem>>
        %dma_start3A_206 = arith.constant 0 : i32
        %dma_start3A_207 = arith.constant 0 : i32
        %dma_start3A_208 = tpu.memref_slice %arg9[%dma_start3A_206, %dma_start3A_207] : memref<10000x64xf32, #tpu.memory_space<vmem_shared>> -> memref<10000x64xf32, #tpu.memory_space<vmem_shared>>
        tpu.enqueue_indirect_dma source(%dma_start3A_202 : memref<80x64xf32, #tpu.memory_space<vmem>>) target(%dma_start3A_208 : memref<10000x64xf32, #tpu.memory_space<vmem_shared>>) offsets(%dma_start3A_205 : memref<80xi32, #tpu.memory_space<vmem>>) semaphore(%run_scoped3A_198 : memref<!tpu.dma_semaphore, #tpu.memory_space<semaphore_mem>>) {add = true}
        %dma_wait3A_209 = arith.constant 0 : i32
        %dma_wait3A_210 = arith.constant 0 : i32
        %dma_wait3A_211 = tpu.memref_slice %arg8[%run_scoped3A_99, %dma_wait3A_209, %dma_wait3A_210] : memref<5x80x64xf32, #tpu.memory_space<vmem>> -> memref<1x80x64xf32, #tpu.memory_space<vmem>>
        %dma_wait3A_212 = tpu.memref_squeeze %dma_wait3A_211 : memref<1x80x64xf32, #tpu.memory_space<vmem>> -> memref<80x64xf32, #tpu.memory_space<vmem>>
        %dma_wait3A_213 = arith.constant 0 : i32
        %dma_wait3A_214 = tpu.memref_slice %arg7[%add3A_88, %dma_wait3A_213] : memref<125x80xi32, #tpu.memory_space<vmem>> -> memref<1x80xi32, #tpu.memory_space<vmem>>
        %dma_wait3A_215 = tpu.memref_squeeze %dma_wait3A_214 : memref<1x80xi32, #tpu.memory_space<vmem>> -> memref<80xi32, #tpu.memory_space<vmem>>
        %dma_wait3A_216 = arith.constant 0 : i32
        %dma_wait3A_217 = arith.constant 0 : i32
        %dma_wait3A_218 = tpu.memref_slice %arg9[%dma_wait3A_216, %dma_wait3A_217] : memref<10000x64xf32, #tpu.memory_space<vmem_shared>> -> memref<10000x64xf32, #tpu.memory_space<vmem_shared>>
        tpu.wait_indirect_dma semaphore(%run_scoped3A_198 : memref<!tpu.dma_semaphore, #tpu.memory_space<semaphore_mem>>) src(%dma_wait3A_212 : memref<80x64xf32, #tpu.memory_space<vmem>>) dst(%dma_wait3A_218 : memref<10000x64xf32, #tpu.memory_space<vmem_shared>>)
        tpu.yield
      }) : () -> ()
      %add3A_100 = arith.constant 5 : i32
      %add3A_101 = arith.addi %add3A_88, %add3A_100 : i32
      %lt3A = arith.constant 125 : i32
      %lt3A_102 = arith.cmpi slt, %add3A_101, %lt3A : i32
      %convert_element_type3A_103 = arith.extui %lt3A_102 : i1 to i32
      %cond3A_104 = arith.constant 0 : i32
      %cond3A_105 = arith.cmpi ne, %convert_element_type3A_103, %cond3A_104 : i32
      scf.if %cond3A_105 {
        %add3A_198 = arith.constant 5 : i32
        %add3A_199 = arith.addi %add3A_88, %add3A_198 : i32
        %dma_start3A_200 = arith.constant 0 : i32
        %dma_start3A_201 = arith.constant 0 : i32
        %dma_start3A_202 = arith.constant 0 : i32
        %dma_start3A_203 = tpu.memref_slice %arg8[%dma_start3A_200, %dma_start3A_201, %dma_start3A_202] : memref<5x80x64xf32, #tpu.memory_space<vmem>> -> memref<1x80x64xf32, #tpu.memory_space<vmem>>
        %dma_start3A_204 = tpu.memref_squeeze %dma_start3A_203 : memref<1x80x64xf32, #tpu.memory_space<vmem>> -> memref<80x64xf32, #tpu.memory_space<vmem>>
        %dma_start3A_205 = arith.constant 0 : i32
        %dma_start3A_206 = tpu.memref_slice %arg6[%add3A_199, %dma_start3A_205] : memref<125x80xi32, #tpu.memory_space<vmem>> -> memref<1x80xi32, #tpu.memory_space<vmem>>
        %dma_start3A_207 = tpu.memref_squeeze %dma_start3A_206 : memref<1x80xi32, #tpu.memory_space<vmem>> -> memref<80xi32, #tpu.memory_space<vmem>>
        %dma_start3A_208 = arith.constant 0 : i32
        %dma_start3A_209 = arith.constant 0 : i32
        %dma_start3A_210 = tpu.memref_slice %arg2[%dma_start3A_208, %dma_start3A_209] : memref<10000x64xf32, #tpu.memory_space<hbm>> -> memref<10000x64xf32, #tpu.memory_space<hbm>>
        tpu.enqueue_indirect_dma source(%dma_start3A_210 : memref<10000x64xf32, #tpu.memory_space<hbm>>) target(%dma_start3A_204 : memref<80x64xf32, #tpu.memory_space<vmem>>) offsets(%dma_start3A_207 : memref<80xi32, #tpu.memory_space<vmem>>) semaphore(%arg10 : memref<!tpu.dma_semaphore, #tpu.memory_space<semaphore_mem>>)
      } else {
      }
      %mul3A_106 = arith.constant 5 : i32
      %mul3A_107 = arith.muli %scan3A_84, %mul3A_106 : i32
      %add3A_108 = arith.constant 1 : i32
      %add3A_109 = arith.addi %mul3A_107, %add3A_108 : i32
      %dma_wait3A_110 = arith.constant 1 : i32
      %dma_wait3A_111 = arith.constant 0 : i32
      %dma_wait3A_112 = arith.constant 0 : i32
      %dma_wait3A_113 = tpu.memref_slice %arg8[%dma_wait3A_110, %dma_wait3A_111, %dma_wait3A_112] : memref<5x80x64xf32, #tpu.memory_space<vmem>> -> memref<1x80x64xf32, #tpu.memory_space<vmem>>
      %dma_wait3A_114 = tpu.memref_squeeze %dma_wait3A_113 : memref<1x80x64xf32, #tpu.memory_space<vmem>> -> memref<80x64xf32, #tpu.memory_space<vmem>>
      %dma_wait3A_115 = arith.constant 0 : i32
      %dma_wait3A_116 = tpu.memref_slice %arg6[%add3A_109, %dma_wait3A_115] : memref<125x80xi32, #tpu.memory_space<vmem>> -> memref<1x80xi32, #tpu.memory_space<vmem>>
      %dma_wait3A_117 = tpu.memref_squeeze %dma_wait3A_116 : memref<1x80xi32, #tpu.memory_space<vmem>> -> memref<80xi32, #tpu.memory_space<vmem>>
      %dma_wait3A_118 = arith.constant 0 : i32
      %dma_wait3A_119 = arith.constant 0 : i32
      %dma_wait3A_120 = tpu.memref_slice %arg2[%dma_wait3A_118, %dma_wait3A_119] : memref<10000x64xf32, #tpu.memory_space<hbm>> -> memref<10000x64xf32, #tpu.memory_space<hbm>>
      tpu.wait_indirect_dma semaphore(%arg11 : memref<!tpu.dma_semaphore, #tpu.memory_space<semaphore_mem>>) src(%dma_wait3A_120 : memref<10000x64xf32, #tpu.memory_space<hbm>>) dst(%dma_wait3A_114 : memref<80x64xf32, #tpu.memory_space<vmem>>)
      %run_scoped3A_121 = arith.constant 1 : i32
      "tpu.region"() ({
        %run_scoped3A_198 = tpu.sem_alloc : memref<!tpu.dma_semaphore, #tpu.memory_space<semaphore_mem>>
        %dma_start3A_199 = arith.constant 0 : i32
        %dma_start3A_200 = arith.constant 0 : i32
        %dma_start3A_201 = tpu.memref_slice %arg8[%run_scoped3A_121, %dma_start3A_199, %dma_start3A_200] : memref<5x80x64xf32, #tpu.memory_space<vmem>> -> memref<1x80x64xf32, #tpu.memory_space<vmem>>
        %dma_start3A_202 = tpu.memref_squeeze %dma_start3A_201 : memref<1x80x64xf32, #tpu.memory_space<vmem>> -> memref<80x64xf32, #tpu.memory_space<vmem>>
        %dma_start3A_203 = arith.constant 0 : i32
        %dma_start3A_204 = tpu.memref_slice %arg7[%add3A_109, %dma_start3A_203] : memref<125x80xi32, #tpu.memory_space<vmem>> -> memref<1x80xi32, #tpu.memory_space<vmem>>
        %dma_start3A_205 = tpu.memref_squeeze %dma_start3A_204 : memref<1x80xi32, #tpu.memory_space<vmem>> -> memref<80xi32, #tpu.memory_space<vmem>>
        %dma_start3A_206 = arith.constant 0 : i32
        %dma_start3A_207 = arith.constant 0 : i32
        %dma_start3A_208 = tpu.memref_slice %arg9[%dma_start3A_206, %dma_start3A_207] : memref<10000x64xf32, #tpu.memory_space<vmem_shared>> -> memref<10000x64xf32, #tpu.memory_space<vmem_shared>>
        tpu.enqueue_indirect_dma source(%dma_start3A_202 : memref<80x64xf32, #tpu.memory_space<vmem>>) target(%dma_start3A_208 : memref<10000x64xf32, #tpu.memory_space<vmem_shared>>) offsets(%dma_start3A_205 : memref<80xi32, #tpu.memory_space<vmem>>) semaphore(%run_scoped3A_198 : memref<!tpu.dma_semaphore, #tpu.memory_space<semaphore_mem>>) {add = true}
        %dma_wait3A_209 = arith.constant 0 : i32
        %dma_wait3A_210 = arith.constant 0 : i32
        %dma_wait3A_211 = tpu.memref_slice %arg8[%run_scoped3A_121, %dma_wait3A_209, %dma_wait3A_210] : memref<5x80x64xf32, #tpu.memory_space<vmem>> -> memref<1x80x64xf32, #tpu.memory_space<vmem>>
        %dma_wait3A_212 = tpu.memref_squeeze %dma_wait3A_211 : memref<1x80x64xf32, #tpu.memory_space<vmem>> -> memref<80x64xf32, #tpu.memory_space<vmem>>
        %dma_wait3A_213 = arith.constant 0 : i32
        %dma_wait3A_214 = tpu.memref_slice %arg7[%add3A_109, %dma_wait3A_213] : memref<125x80xi32, #tpu.memory_space<vmem>> -> memref<1x80xi32, #tpu.memory_space<vmem>>
        %dma_wait3A_215 = tpu.memref_squeeze %dma_wait3A_214 : memref<1x80xi32, #tpu.memory_space<vmem>> -> memref<80xi32, #tpu.memory_space<vmem>>
        %dma_wait3A_216 = arith.constant 0 : i32
        %dma_wait3A_217 = arith.constant 0 : i32
        %dma_wait3A_218 = tpu.memref_slice %arg9[%dma_wait3A_216, %dma_wait3A_217] : memref<10000x64xf32, #tpu.memory_space<vmem_shared>> -> memref<10000x64xf32, #tpu.memory_space<vmem_shared>>
        tpu.wait_indirect_dma semaphore(%run_scoped3A_198 : memref<!tpu.dma_semaphore, #tpu.memory_space<semaphore_mem>>) src(%dma_wait3A_212 : memref<80x64xf32, #tpu.memory_space<vmem>>) dst(%dma_wait3A_218 : memref<10000x64xf32, #tpu.memory_space<vmem_shared>>)
        tpu.yield
      }) : () -> ()
      %add3A_122 = arith.constant 5 : i32
      %add3A_123 = arith.addi %add3A_109, %add3A_122 : i32
      %lt3A_124 = arith.constant 125 : i32
      %lt3A_125 = arith.cmpi slt, %add3A_123, %lt3A_124 : i32
      %convert_element_type3A_126 = arith.extui %lt3A_125 : i1 to i32
      %cond3A_127 = arith.constant 0 : i32
      %cond3A_128 = arith.cmpi ne, %convert_element_type3A_126, %cond3A_127 : i32
      scf.if %cond3A_128 {
        %add3A_198 = arith.constant 5 : i32
        %add3A_199 = arith.addi %add3A_109, %add3A_198 : i32
        %dma_start3A_200 = arith.constant 1 : i32
        %dma_start3A_201 = arith.constant 0 : i32
        %dma_start3A_202 = arith.constant 0 : i32
        %dma_start3A_203 = tpu.memref_slice %arg8[%dma_start3A_200, %dma_start3A_201, %dma_start3A_202] : memref<5x80x64xf32, #tpu.memory_space<vmem>> -> memref<1x80x64xf32, #tpu.memory_space<vmem>>
        %dma_start3A_204 = tpu.memref_squeeze %dma_start3A_203 : memref<1x80x64xf32, #tpu.memory_space<vmem>> -> memref<80x64xf32, #tpu.memory_space<vmem>>
        %dma_start3A_205 = arith.constant 0 : i32
        %dma_start3A_206 = tpu.memref_slice %arg6[%add3A_199, %dma_start3A_205] : memref<125x80xi32, #tpu.memory_space<vmem>> -> memref<1x80xi32, #tpu.memory_space<vmem>>
        %dma_start3A_207 = tpu.memref_squeeze %dma_start3A_206 : memref<1x80xi32, #tpu.memory_space<vmem>> -> memref<80xi32, #tpu.memory_space<vmem>>
        %dma_start3A_208 = arith.constant 0 : i32
        %dma_start3A_209 = arith.constant 0 : i32
        %dma_start3A_210 = tpu.memref_slice %arg2[%dma_start3A_208, %dma_start3A_209] : memref<10000x64xf32, #tpu.memory_space<hbm>> -> memref<10000x64xf32, #tpu.memory_space<hbm>>
        tpu.enqueue_indirect_dma source(%dma_start3A_210 : memref<10000x64xf32, #tpu.memory_space<hbm>>) target(%dma_start3A_204 : memref<80x64xf32, #tpu.memory_space<vmem>>) offsets(%dma_start3A_207 : memref<80xi32, #tpu.memory_space<vmem>>) semaphore(%arg11 : memref<!tpu.dma_semaphore, #tpu.memory_space<semaphore_mem>>)
      } else {
      }
      %mul3A_129 = arith.constant 5 : i32
      %mul3A_130 = arith.muli %scan3A_84, %mul3A_129 : i32
      %add3A_131 = arith.constant 2 : i32
      %add3A_132 = arith.addi %mul3A_130, %add3A_131 : i32
      %dma_wait3A_133 = arith.constant 2 : i32
      %dma_wait3A_134 = arith.constant 0 : i32
      %dma_wait3A_135 = arith.constant 0 : i32
      %dma_wait3A_136 = tpu.memref_slice %arg8[%dma_wait3A_133, %dma_wait3A_134, %dma_wait3A_135] : memref<5x80x64xf32, #tpu.memory_space<vmem>> -> memref<1x80x64xf32, #tpu.memory_space<vmem>>
      %dma_wait3A_137 = tpu.memref_squeeze %dma_wait3A_136 : memref<1x80x64xf32, #tpu.memory_space<vmem>> -> memref<80x64xf32, #tpu.memory_space<vmem>>
      %dma_wait3A_138 = arith.constant 0 : i32
      %dma_wait3A_139 = tpu.memref_slice %arg6[%add3A_132, %dma_wait3A_138] : memref<125x80xi32, #tpu.memory_space<vmem>> -> memref<1x80xi32, #tpu.memory_space<vmem>>
      %dma_wait3A_140 = tpu.memref_squeeze %dma_wait3A_139 : memref<1x80xi32, #tpu.memory_space<vmem>> -> memref<80xi32, #tpu.memory_space<vmem>>
      %dma_wait3A_141 = arith.constant 0 : i32
      %dma_wait3A_142 = arith.constant 0 : i32
      %dma_wait3A_143 = tpu.memref_slice %arg2[%dma_wait3A_141, %dma_wait3A_142] : memref<10000x64xf32, #tpu.memory_space<hbm>> -> memref<10000x64xf32, #tpu.memory_space<hbm>>
      tpu.wait_indirect_dma semaphore(%arg12 : memref<!tpu.dma_semaphore, #tpu.memory_space<semaphore_mem>>) src(%dma_wait3A_143 : memref<10000x64xf32, #tpu.memory_space<hbm>>) dst(%dma_wait3A_137 : memref<80x64xf32, #tpu.memory_space<vmem>>)
      %run_scoped3A_144 = arith.constant 2 : i32
      "tpu.region"() ({
        %run_scoped3A_198 = tpu.sem_alloc : memref<!tpu.dma_semaphore, #tpu.memory_space<semaphore_mem>>
        %dma_start3A_199 = arith.constant 0 : i32
        %dma_start3A_200 = arith.constant 0 : i32
        %dma_start3A_201 = tpu.memref_slice %arg8[%run_scoped3A_144, %dma_start3A_199, %dma_start3A_200] : memref<5x80x64xf32, #tpu.memory_space<vmem>> -> memref<1x80x64xf32, #tpu.memory_space<vmem>>
        %dma_start3A_202 = tpu.memref_squeeze %dma_start3A_201 : memref<1x80x64xf32, #tpu.memory_space<vmem>> -> memref<80x64xf32, #tpu.memory_space<vmem>>
        %dma_start3A_203 = arith.constant 0 : i32
        %dma_start3A_204 = tpu.memref_slice %arg7[%add3A_132, %dma_start3A_203] : memref<125x80xi32, #tpu.memory_space<vmem>> -> memref<1x80xi32, #tpu.memory_space<vmem>>
        %dma_start3A_205 = tpu.memref_squeeze %dma_start3A_204 : memref<1x80xi32, #tpu.memory_space<vmem>> -> memref<80xi32, #tpu.memory_space<vmem>>
        %dma_start3A_206 = arith.constant 0 : i32
        %dma_start3A_207 = arith.constant 0 : i32
        %dma_start3A_208 = tpu.memref_slice %arg9[%dma_start3A_206, %dma_start3A_207] : memref<10000x64xf32, #tpu.memory_space<vmem_shared>> -> memref<10000x64xf32, #tpu.memory_space<vmem_shared>>
        tpu.enqueue_indirect_dma source(%dma_start3A_202 : memref<80x64xf32, #tpu.memory_space<vmem>>) target(%dma_start3A_208 : memref<10000x64xf32, #tpu.memory_space<vmem_shared>>) offsets(%dma_start3A_205 : memref<80xi32, #tpu.memory_space<vmem>>) semaphore(%run_scoped3A_198 : memref<!tpu.dma_semaphore, #tpu.memory_space<semaphore_mem>>) {add = true}
        %dma_wait3A_209 = arith.constant 0 : i32
        %dma_wait3A_210 = arith.constant 0 : i32
        %dma_wait3A_211 = tpu.memref_slice %arg8[%run_scoped3A_144, %dma_wait3A_209, %dma_wait3A_210] : memref<5x80x64xf32, #tpu.memory_space<vmem>> -> memref<1x80x64xf32, #tpu.memory_space<vmem>>
        %dma_wait3A_212 = tpu.memref_squeeze %dma_wait3A_211 : memref<1x80x64xf32, #tpu.memory_space<vmem>> -> memref<80x64xf32, #tpu.memory_space<vmem>>
        %dma_wait3A_213 = arith.constant 0 : i32
        %dma_wait3A_214 = tpu.memref_slice %arg7[%add3A_132, %dma_wait3A_213] : memref<125x80xi32, #tpu.memory_space<vmem>> -> memref<1x80xi32, #tpu.memory_space<vmem>>
        %dma_wait3A_215 = tpu.memref_squeeze %dma_wait3A_214 : memref<1x80xi32, #tpu.memory_space<vmem>> -> memref<80xi32, #tpu.memory_space<vmem>>
        %dma_wait3A_216 = arith.constant 0 : i32
        %dma_wait3A_217 = arith.constant 0 : i32
        %dma_wait3A_218 = tpu.memref_slice %arg9[%dma_wait3A_216, %dma_wait3A_217] : memref<10000x64xf32, #tpu.memory_space<vmem_shared>> -> memref<10000x64xf32, #tpu.memory_space<vmem_shared>>
        tpu.wait_indirect_dma semaphore(%run_scoped3A_198 : memref<!tpu.dma_semaphore, #tpu.memory_space<semaphore_mem>>) src(%dma_wait3A_212 : memref<80x64xf32, #tpu.memory_space<vmem>>) dst(%dma_wait3A_218 : memref<10000x64xf32, #tpu.memory_space<vmem_shared>>)
        tpu.yield
      }) : () -> ()
      %add3A_145 = arith.constant 5 : i32
      %add3A_146 = arith.addi %add3A_132, %add3A_145 : i32
      %lt3A_147 = arith.constant 125 : i32
      %lt3A_148 = arith.cmpi slt, %add3A_146, %lt3A_147 : i32
      %convert_element_type3A_149 = arith.extui %lt3A_148 : i1 to i32
      %cond3A_150 = arith.constant 0 : i32
      %cond3A_151 = arith.cmpi ne, %convert_element_type3A_149, %cond3A_150 : i32
      scf.if %cond3A_151 {
        %add3A_198 = arith.constant 5 : i32
        %add3A_199 = arith.addi %add3A_132, %add3A_198 : i32
        %dma_start3A_200 = arith.constant 2 : i32
        %dma_start3A_201 = arith.constant 0 : i32
        %dma_start3A_202 = arith.constant 0 : i32
        %dma_start3A_203 = tpu.memref_slice %arg8[%dma_start3A_200, %dma_start3A_201, %dma_start3A_202] : memref<5x80x64xf32, #tpu.memory_space<vmem>> -> memref<1x80x64xf32, #tpu.memory_space<vmem>>
        %dma_start3A_204 = tpu.memref_squeeze %dma_start3A_203 : memref<1x80x64xf32, #tpu.memory_space<vmem>> -> memref<80x64xf32, #tpu.memory_space<vmem>>
        %dma_start3A_205 = arith.constant 0 : i32
        %dma_start3A_206 = tpu.memref_slice %arg6[%add3A_199, %dma_start3A_205] : memref<125x80xi32, #tpu.memory_space<vmem>> -> memref<1x80xi32, #tpu.memory_space<vmem>>
        %dma_start3A_207 = tpu.memref_squeeze %dma_start3A_206 : memref<1x80xi32, #tpu.memory_space<vmem>> -> memref<80xi32, #tpu.memory_space<vmem>>
        %dma_start3A_208 = arith.constant 0 : i32
        %dma_start3A_209 = arith.constant 0 : i32
        %dma_start3A_210 = tpu.memref_slice %arg2[%dma_start3A_208, %dma_start3A_209] : memref<10000x64xf32, #tpu.memory_space<hbm>> -> memref<10000x64xf32, #tpu.memory_space<hbm>>
        tpu.enqueue_indirect_dma source(%dma_start3A_210 : memref<10000x64xf32, #tpu.memory_space<hbm>>) target(%dma_start3A_204 : memref<80x64xf32, #tpu.memory_space<vmem>>) offsets(%dma_start3A_207 : memref<80xi32, #tpu.memory_space<vmem>>) semaphore(%arg12 : memref<!tpu.dma_semaphore, #tpu.memory_space<semaphore_mem>>)
      } else {
      }
      %mul3A_152 = arith.constant 5 : i32
      %mul3A_153 = arith.muli %scan3A_84, %mul3A_152 : i32
      %add3A_154 = arith.constant 3 : i32
      %add3A_155 = arith.addi %mul3A_153, %add3A_154 : i32
      %dma_wait3A_156 = arith.constant 3 : i32
      %dma_wait3A_157 = arith.constant 0 : i32
      %dma_wait3A_158 = arith.constant 0 : i32
      %dma_wait3A_159 = tpu.memref_slice %arg8[%dma_wait3A_156, %dma_wait3A_157, %dma_wait3A_158] : memref<5x80x64xf32, #tpu.memory_space<vmem>> -> memref<1x80x64xf32, #tpu.memory_space<vmem>>
      %dma_wait3A_160 = tpu.memref_squeeze %dma_wait3A_159 : memref<1x80x64xf32, #tpu.memory_space<vmem>> -> memref<80x64xf32, #tpu.memory_space<vmem>>
      %dma_wait3A_161 = arith.constant 0 : i32
      %dma_wait3A_162 = tpu.memref_slice %arg6[%add3A_155, %dma_wait3A_161] : memref<125x80xi32, #tpu.memory_space<vmem>> -> memref<1x80xi32, #tpu.memory_space<vmem>>
      %dma_wait3A_163 = tpu.memref_squeeze %dma_wait3A_162 : memref<1x80xi32, #tpu.memory_space<vmem>> -> memref<80xi32, #tpu.memory_space<vmem>>
      %dma_wait3A_164 = arith.constant 0 : i32
      %dma_wait3A_165 = arith.constant 0 : i32
      %dma_wait3A_166 = tpu.memref_slice %arg2[%dma_wait3A_164, %dma_wait3A_165] : memref<10000x64xf32, #tpu.memory_space<hbm>> -> memref<10000x64xf32, #tpu.memory_space<hbm>>
      tpu.wait_indirect_dma semaphore(%arg13 : memref<!tpu.dma_semaphore, #tpu.memory_space<semaphore_mem>>) src(%dma_wait3A_166 : memref<10000x64xf32, #tpu.memory_space<hbm>>) dst(%dma_wait3A_160 : memref<80x64xf32, #tpu.memory_space<vmem>>)
      %run_scoped3A_167 = arith.constant 3 : i32
      "tpu.region"() ({
        %run_scoped3A_198 = tpu.sem_alloc : memref<!tpu.dma_semaphore, #tpu.memory_space<semaphore_mem>>
        %dma_start3A_199 = arith.constant 0 : i32
        %dma_start3A_200 = arith.constant 0 : i32
        %dma_start3A_201 = tpu.memref_slice %arg8[%run_scoped3A_167, %dma_start3A_199, %dma_start3A_200] : memref<5x80x64xf32, #tpu.memory_space<vmem>> -> memref<1x80x64xf32, #tpu.memory_space<vmem>>
        %dma_start3A_202 = tpu.memref_squeeze %dma_start3A_201 : memref<1x80x64xf32, #tpu.memory_space<vmem>> -> memref<80x64xf32, #tpu.memory_space<vmem>>
        %dma_start3A_203 = arith.constant 0 : i32
        %dma_start3A_204 = tpu.memref_slice %arg7[%add3A_155, %dma_start3A_203] : memref<125x80xi32, #tpu.memory_space<vmem>> -> memref<1x80xi32, #tpu.memory_space<vmem>>
        %dma_start3A_205 = tpu.memref_squeeze %dma_start3A_204 : memref<1x80xi32, #tpu.memory_space<vmem>> -> memref<80xi32, #tpu.memory_space<vmem>>
        %dma_start3A_206 = arith.constant 0 : i32
        %dma_start3A_207 = arith.constant 0 : i32
        %dma_start3A_208 = tpu.memref_slice %arg9[%dma_start3A_206, %dma_start3A_207] : memref<10000x64xf32, #tpu.memory_space<vmem_shared>> -> memref<10000x64xf32, #tpu.memory_space<vmem_shared>>
        tpu.enqueue_indirect_dma source(%dma_start3A_202 : memref<80x64xf32, #tpu.memory_space<vmem>>) target(%dma_start3A_208 : memref<10000x64xf32, #tpu.memory_space<vmem_shared>>) offsets(%dma_start3A_205 : memref<80xi32, #tpu.memory_space<vmem>>) semaphore(%run_scoped3A_198 : memref<!tpu.dma_semaphore, #tpu.memory_space<semaphore_mem>>) {add = true}
        %dma_wait3A_209 = arith.constant 0 : i32
        %dma_wait3A_210 = arith.constant 0 : i32
        %dma_wait3A_211 = tpu.memref_slice %arg8[%run_scoped3A_167, %dma_wait3A_209, %dma_wait3A_210] : memref<5x80x64xf32, #tpu.memory_space<vmem>> -> memref<1x80x64xf32, #tpu.memory_space<vmem>>
        %dma_wait3A_212 = tpu.memref_squeeze %dma_wait3A_211 : memref<1x80x64xf32, #tpu.memory_space<vmem>> -> memref<80x64xf32, #tpu.memory_space<vmem>>
        %dma_wait3A_213 = arith.constant 0 : i32
        %dma_wait3A_214 = tpu.memref_slice %arg7[%add3A_155, %dma_wait3A_213] : memref<125x80xi32, #tpu.memory_space<vmem>> -> memref<1x80xi32, #tpu.memory_space<vmem>>
        %dma_wait3A_215 = tpu.memref_squeeze %dma_wait3A_214 : memref<1x80xi32, #tpu.memory_space<vmem>> -> memref<80xi32, #tpu.memory_space<vmem>>
        %dma_wait3A_216 = arith.constant 0 : i32
        %dma_wait3A_217 = arith.constant 0 : i32
        %dma_wait3A_218 = tpu.memref_slice %arg9[%dma_wait3A_216, %dma_wait3A_217] : memref<10000x64xf32, #tpu.memory_space<vmem_shared>> -> memref<10000x64xf32, #tpu.memory_space<vmem_shared>>
        tpu.wait_indirect_dma semaphore(%run_scoped3A_198 : memref<!tpu.dma_semaphore, #tpu.memory_space<semaphore_mem>>) src(%dma_wait3A_212 : memref<80x64xf32, #tpu.memory_space<vmem>>) dst(%dma_wait3A_218 : memref<10000x64xf32, #tpu.memory_space<vmem_shared>>)
        tpu.yield
      }) : () -> ()
      %add3A_168 = arith.constant 5 : i32
      %add3A_169 = arith.addi %add3A_155, %add3A_168 : i32
      %lt3A_170 = arith.constant 125 : i32
      %lt3A_171 = arith.cmpi slt, %add3A_169, %lt3A_170 : i32
      %convert_element_type3A_172 = arith.extui %lt3A_171 : i1 to i32
      %cond3A_173 = arith.constant 0 : i32
      %cond3A_174 = arith.cmpi ne, %convert_element_type3A_172, %cond3A_173 : i32
      scf.if %cond3A_174 {
        %add3A_198 = arith.constant 5 : i32
        %add3A_199 = arith.addi %add3A_155, %add3A_198 : i32
        %dma_start3A_200 = arith.constant 3 : i32
        %dma_start3A_201 = arith.constant 0 : i32
        %dma_start3A_202 = arith.constant 0 : i32
        %dma_start3A_203 = tpu.memref_slice %arg8[%dma_start3A_200, %dma_start3A_201, %dma_start3A_202] : memref<5x80x64xf32, #tpu.memory_space<vmem>> -> memref<1x80x64xf32, #tpu.memory_space<vmem>>
        %dma_start3A_204 = tpu.memref_squeeze %dma_start3A_203 : memref<1x80x64xf32, #tpu.memory_space<vmem>> -> memref<80x64xf32, #tpu.memory_space<vmem>>
        %dma_start3A_205 = arith.constant 0 : i32
        %dma_start3A_206 = tpu.memref_slice %arg6[%add3A_199, %dma_start3A_205] : memref<125x80xi32, #tpu.memory_space<vmem>> -> memref<1x80xi32, #tpu.memory_space<vmem>>
        %dma_start3A_207 = tpu.memref_squeeze %dma_start3A_206 : memref<1x80xi32, #tpu.memory_space<vmem>> -> memref<80xi32, #tpu.memory_space<vmem>>
        %dma_start3A_208 = arith.constant 0 : i32
        %dma_start3A_209 = arith.constant 0 : i32
        %dma_start3A_210 = tpu.memref_slice %arg2[%dma_start3A_208, %dma_start3A_209] : memref<10000x64xf32, #tpu.memory_space<hbm>> -> memref<10000x64xf32, #tpu.memory_space<hbm>>
        tpu.enqueue_indirect_dma source(%dma_start3A_210 : memref<10000x64xf32, #tpu.memory_space<hbm>>) target(%dma_start3A_204 : memref<80x64xf32, #tpu.memory_space<vmem>>) offsets(%dma_start3A_207 : memref<80xi32, #tpu.memory_space<vmem>>) semaphore(%arg13 : memref<!tpu.dma_semaphore, #tpu.memory_space<semaphore_mem>>)
      } else {
      }
      %mul3A_175 = arith.constant 5 : i32
      %mul3A_176 = arith.muli %scan3A_84, %mul3A_175 : i32
      %add3A_177 = arith.constant 4 : i32
      %add3A_178 = arith.addi %mul3A_176, %add3A_177 : i32
      %dma_wait3A_179 = arith.constant 4 : i32
      %dma_wait3A_180 = arith.constant 0 : i32
      %dma_wait3A_181 = arith.constant 0 : i32
      %dma_wait3A_182 = tpu.memref_slice %arg8[%dma_wait3A_179, %dma_wait3A_180, %dma_wait3A_181] : memref<5x80x64xf32, #tpu.memory_space<vmem>> -> memref<1x80x64xf32, #tpu.memory_space<vmem>>
      %dma_wait3A_183 = tpu.memref_squeeze %dma_wait3A_182 : memref<1x80x64xf32, #tpu.memory_space<vmem>> -> memref<80x64xf32, #tpu.memory_space<vmem>>
      %dma_wait3A_184 = arith.constant 0 : i32
      %dma_wait3A_185 = tpu.memref_slice %arg6[%add3A_178, %dma_wait3A_184] : memref<125x80xi32, #tpu.memory_space<vmem>> -> memref<1x80xi32, #tpu.memory_space<vmem>>
      %dma_wait3A_186 = tpu.memref_squeeze %dma_wait3A_185 : memref<1x80xi32, #tpu.memory_space<vmem>> -> memref<80xi32, #tpu.memory_space<vmem>>
      %dma_wait3A_187 = arith.constant 0 : i32
      %dma_wait3A_188 = arith.constant 0 : i32
      %dma_wait3A_189 = tpu.memref_slice %arg2[%dma_wait3A_187, %dma_wait3A_188] : memref<10000x64xf32, #tpu.memory_space<hbm>> -> memref<10000x64xf32, #tpu.memory_space<hbm>>
      tpu.wait_indirect_dma semaphore(%arg14 : memref<!tpu.dma_semaphore, #tpu.memory_space<semaphore_mem>>) src(%dma_wait3A_189 : memref<10000x64xf32, #tpu.memory_space<hbm>>) dst(%dma_wait3A_183 : memref<80x64xf32, #tpu.memory_space<vmem>>)
      %run_scoped3A_190 = arith.constant 4 : i32
      "tpu.region"() ({
        %run_scoped3A_198 = tpu.sem_alloc : memref<!tpu.dma_semaphore, #tpu.memory_space<semaphore_mem>>
        %dma_start3A_199 = arith.constant 0 : i32
        %dma_start3A_200 = arith.constant 0 : i32
        %dma_start3A_201 = tpu.memref_slice %arg8[%run_scoped3A_190, %dma_start3A_199, %dma_start3A_200] : memref<5x80x64xf32, #tpu.memory_space<vmem>> -> memref<1x80x64xf32, #tpu.memory_space<vmem>>
        %dma_start3A_202 = tpu.memref_squeeze %dma_start3A_201 : memref<1x80x64xf32, #tpu.memory_space<vmem>> -> memref<80x64xf32, #tpu.memory_space<vmem>>
        %dma_start3A_203 = arith.constant 0 : i32
        %dma_start3A_204 = tpu.memref_slice %arg7[%add3A_178, %dma_start3A_203] : memref<125x80xi32, #tpu.memory_space<vmem>> -> memref<1x80xi32, #tpu.memory_space<vmem>>
        %dma_start3A_205 = tpu.memref_squeeze %dma_start3A_204 : memref<1x80xi32, #tpu.memory_space<vmem>> -> memref<80xi32, #tpu.memory_space<vmem>>
        %dma_start3A_206 = arith.constant 0 : i32
        %dma_start3A_207 = arith.constant 0 : i32
        %dma_start3A_208 = tpu.memref_slice %arg9[%dma_start3A_206, %dma_start3A_207] : memref<10000x64xf32, #tpu.memory_space<vmem_shared>> -> memref<10000x64xf32, #tpu.memory_space<vmem_shared>>
        tpu.enqueue_indirect_dma source(%dma_start3A_202 : memref<80x64xf32, #tpu.memory_space<vmem>>) target(%dma_start3A_208 : memref<10000x64xf32, #tpu.memory_space<vmem_shared>>) offsets(%dma_start3A_205 : memref<80xi32, #tpu.memory_space<vmem>>) semaphore(%run_scoped3A_198 : memref<!tpu.dma_semaphore, #tpu.memory_space<semaphore_mem>>) {add = true}
        %dma_wait3A_209 = arith.constant 0 : i32
        %dma_wait3A_210 = arith.constant 0 : i32
        %dma_wait3A_211 = tpu.memref_slice %arg8[%run_scoped3A_190, %dma_wait3A_209, %dma_wait3A_210] : memref<5x80x64xf32, #tpu.memory_space<vmem>> -> memref<1x80x64xf32, #tpu.memory_space<vmem>>
        %dma_wait3A_212 = tpu.memref_squeeze %dma_wait3A_211 : memref<1x80x64xf32, #tpu.memory_space<vmem>> -> memref<80x64xf32, #tpu.memory_space<vmem>>
        %dma_wait3A_213 = arith.constant 0 : i32
        %dma_wait3A_214 = tpu.memref_slice %arg7[%add3A_178, %dma_wait3A_213] : memref<125x80xi32, #tpu.memory_space<vmem>> -> memref<1x80xi32, #tpu.memory_space<vmem>>
        %dma_wait3A_215 = tpu.memref_squeeze %dma_wait3A_214 : memref<1x80xi32, #tpu.memory_space<vmem>> -> memref<80xi32, #tpu.memory_space<vmem>>
        %dma_wait3A_216 = arith.constant 0 : i32
        %dma_wait3A_217 = arith.constant 0 : i32
        %dma_wait3A_218 = tpu.memref_slice %arg9[%dma_wait3A_216, %dma_wait3A_217] : memref<10000x64xf32, #tpu.memory_space<vmem_shared>> -> memref<10000x64xf32, #tpu.memory_space<vmem_shared>>
        tpu.wait_indirect_dma semaphore(%run_scoped3A_198 : memref<!tpu.dma_semaphore, #tpu.memory_space<semaphore_mem>>) src(%dma_wait3A_212 : memref<80x64xf32, #tpu.memory_space<vmem>>) dst(%dma_wait3A_218 : memref<10000x64xf32, #tpu.memory_space<vmem_shared>>)
        tpu.yield
      }) : () -> ()
      %add3A_191 = arith.constant 5 : i32
      %add3A_192 = arith.addi %add3A_178, %add3A_191 : i32
      %lt3A_193 = arith.constant 125 : i32
      %lt3A_194 = arith.cmpi slt, %add3A_192, %lt3A_193 : i32
      %convert_element_type3A_195 = arith.extui %lt3A_194 : i1 to i32
      %cond3A_196 = arith.constant 0 : i32
      %cond3A_197 = arith.cmpi ne, %convert_element_type3A_195, %cond3A_196 : i32
      scf.if %cond3A_197 {
        %add3A_198 = arith.constant 5 : i32
        %add3A_199 = arith.addi %add3A_178, %add3A_198 : i32
        %dma_start3A_200 = arith.constant 4 : i32
        %dma_start3A_201 = arith.constant 0 : i32
        %dma_start3A_202 = arith.constant 0 : i32
        %dma_start3A_203 = tpu.memref_slice %arg8[%dma_start3A_200, %dma_start3A_201, %dma_start3A_202] : memref<5x80x64xf32, #tpu.memory_space<vmem>> -> memref<1x80x64xf32, #tpu.memory_space<vmem>>
        %dma_start3A_204 = tpu.memref_squeeze %dma_start3A_203 : memref<1x80x64xf32, #tpu.memory_space<vmem>> -> memref<80x64xf32, #tpu.memory_space<vmem>>
        %dma_start3A_205 = arith.constant 0 : i32
        %dma_start3A_206 = tpu.memref_slice %arg6[%add3A_199, %dma_start3A_205] : memref<125x80xi32, #tpu.memory_space<vmem>> -> memref<1x80xi32, #tpu.memory_space<vmem>>
        %dma_start3A_207 = tpu.memref_squeeze %dma_start3A_206 : memref<1x80xi32, #tpu.memory_space<vmem>> -> memref<80xi32, #tpu.memory_space<vmem>>
        %dma_start3A_208 = arith.constant 0 : i32
        %dma_start3A_209 = arith.constant 0 : i32
        %dma_start3A_210 = tpu.memref_slice %arg2[%dma_start3A_208, %dma_start3A_209] : memref<10000x64xf32, #tpu.memory_space<hbm>> -> memref<10000x64xf32, #tpu.memory_space<hbm>>
        tpu.enqueue_indirect_dma source(%dma_start3A_210 : memref<10000x64xf32, #tpu.memory_space<hbm>>) target(%dma_start3A_204 : memref<80x64xf32, #tpu.memory_space<vmem>>) offsets(%dma_start3A_207 : memref<80xi32, #tpu.memory_space<vmem>>) semaphore(%arg14 : memref<!tpu.dma_semaphore, #tpu.memory_space<semaphore_mem>>)
      } else {
      }
    }
    %scan3A_73 = arith.constant 25 : i32
    %barrier3A_74 = arith.constant 0 : index
    tpu.barrier barrier_id(%barrier3A_74)
    %mul3A_75 = arith.constant 624 : i32
    %mul3A_76 = arith.muli %arg1, %mul3A_75 : i32
    %mul3A_77 = arith.constant 624 : i32
    %mul3A_78 = arith.muli %arg1, %mul3A_77 : i32
    "tpu.region"() ({
      %run_scoped3A_84 = tpu.sem_alloc : memref<!tpu.dma_semaphore, #tpu.memory_space<semaphore_mem>>
      %dma_start3A_85 = arith.constant 0 : i32
      %dma_start3A_86 = tpu.memref_slice %arg5[%arg0, %mul3A_78, %dma_start3A_85] : memref<2x10000x64xf32, #tpu.memory_space<hbm>> -> memref<1x624x64xf32, #tpu.memory_space<hbm>>
      %dma_start3A_87 = tpu.memref_squeeze %dma_start3A_86 : memref<1x624x64xf32, #tpu.memory_space<hbm>> -> memref<624x64xf32, #tpu.memory_space<hbm>>
      %dma_start3A_88 = arith.constant 0 : i32
      %dma_start3A_89 = tpu.memref_slice %arg9[%mul3A_76, %dma_start3A_88] : memref<10000x64xf32, #tpu.memory_space<vmem_shared>> -> memref<624x64xf32, #tpu.memory_space<vmem_shared>>
      tpu.enqueue_dma source(%dma_start3A_89 : memref<624x64xf32, #tpu.memory_space<vmem_shared>>) target(%dma_start3A_87 : memref<624x64xf32, #tpu.memory_space<hbm>>) target_semaphore(%run_scoped3A_84 : memref<!tpu.dma_semaphore, #tpu.memory_space<semaphore_mem>>)
      %dma_wait3A = arith.constant 0 : i32
      %dma_wait3A_90 = tpu.memref_slice %arg5[%arg0, %mul3A_78, %dma_wait3A] : memref<2x10000x64xf32, #tpu.memory_space<hbm>> -> memref<1x624x64xf32, #tpu.memory_space<hbm>>
      %dma_wait3A_91 = tpu.memref_squeeze %dma_wait3A_90 : memref<1x624x64xf32, #tpu.memory_space<hbm>> -> memref<624x64xf32, #tpu.memory_space<hbm>>
      %dma_wait3A_92 = arith.constant 0 : i32
      %dma_wait3A_93 = tpu.memref_slice %arg9[%mul3A_76, %dma_wait3A_92] : memref<10000x64xf32, #tpu.memory_space<vmem_shared>> -> memref<624x64xf32, #tpu.memory_space<vmem_shared>>
      tpu.wait_dma2 semaphore(%run_scoped3A_84 : memref<!tpu.dma_semaphore, #tpu.memory_space<semaphore_mem>>) src(%dma_wait3A_93 : memref<624x64xf32, #tpu.memory_space<vmem_shared>>) dst(%dma_wait3A_91 : memref<624x64xf32, #tpu.memory_space<hbm>>)
      tpu.yield
    }) : () -> ()
    %eq3A_79 = arith.constant 15 : i32
    %eq3A_80 = arith.cmpi eq, %arg1, %eq3A_79 : i32
    %convert_element_type3A_81 = arith.extui %eq3A_80 : i1 to i32
    %cond3A_82 = arith.constant 0 : i32
    %cond3A_83 = arith.cmpi ne, %convert_element_type3A_81, %cond3A_82 : i32
    scf.if %cond3A_83 {
      "tpu.region"() ({
        %run_scoped3A_84 = tpu.sem_alloc : memref<!tpu.dma_semaphore, #tpu.memory_space<semaphore_mem>>
        %dma_start3A_85 = arith.constant 9984 : i32
        %dma_start3A_86 = arith.constant 0 : i32
        %dma_start3A_87 = tpu.memref_slice %arg5[%arg0, %dma_start3A_85, %dma_start3A_86] : memref<2x10000x64xf32, #tpu.memory_space<hbm>> -> memref<1x16x64xf32, #tpu.memory_space<hbm>>
        %dma_start3A_88 = tpu.memref_squeeze %dma_start3A_87 : memref<1x16x64xf32, #tpu.memory_space<hbm>> -> memref<16x64xf32, #tpu.memory_space<hbm>>
        %dma_start3A_89 = arith.constant 9984 : i32
        %dma_start3A_90 = arith.constant 0 : i32
        %dma_start3A_91 = tpu.memref_slice %arg9[%dma_start3A_89, %dma_start3A_90] : memref<10000x64xf32, #tpu.memory_space<vmem_shared>> -> memref<16x64xf32, #tpu.memory_space<vmem_shared>>
        tpu.enqueue_dma source(%dma_start3A_91 : memref<16x64xf32, #tpu.memory_space<vmem_shared>>) target(%dma_start3A_88 : memref<16x64xf32, #tpu.memory_space<hbm>>) target_semaphore(%run_scoped3A_84 : memref<!tpu.dma_semaphore, #tpu.memory_space<semaphore_mem>>)
        %dma_wait3A = arith.constant 9984 : i32
        %dma_wait3A_92 = arith.constant 0 : i32
        %dma_wait3A_93 = tpu.memref_slice %arg5[%arg0, %dma_wait3A, %dma_wait3A_92] : memref<2x10000x64xf32, #tpu.memory_space<hbm>> -> memref<1x16x64xf32, #tpu.memory_space<hbm>>
        %dma_wait3A_94 = tpu.memref_squeeze %dma_wait3A_93 : memref<1x16x64xf32, #tpu.memory_space<hbm>> -> memref<16x64xf32, #tpu.memory_space<hbm>>
        %dma_wait3A_95 = arith.constant 9984 : i32
        %dma_wait3A_96 = arith.constant 0 : i32
        %dma_wait3A_97 = tpu.memref_slice %arg9[%dma_wait3A_95, %dma_wait3A_96] : memref<10000x64xf32, #tpu.memory_space<vmem_shared>> -> memref<16x64xf32, #tpu.memory_space<vmem_shared>>
        tpu.wait_dma2 semaphore(%run_scoped3A_84 : memref<!tpu.dma_semaphore, #tpu.memory_space<semaphore_mem>>) src(%dma_wait3A_97 : memref<16x64xf32, #tpu.memory_space<vmem_shared>>) dst(%dma_wait3A_94 : memref<16x64xf32, #tpu.memory_space<hbm>>)
        tpu.yield
      }) : () -> ()
    } else {
    }
    return
  }
}

#map = affine_map<(d0, d1) -> (0, 0, 0)>
#map1 = affine_map<(d0, d1) -> (0)>
module attributes {stable_mosaic.version = 14 : i64} {
  func.func @_deg_kernel(%arg0: i32, %arg1: i32, %arg2: memref<2x4000x80xi32, #tpu.memory_space<hbm>>, %arg3: memref<327680xf32, #tpu.memory_space<hbm>>, %arg4: memref<125x80xi32, #tpu.memory_space<vmem>>, %arg5: memref<10240xf32, #tpu.memory_space<vmem>>) attributes {dimension_semantics = [#tpu.dimension_semantics<core_parallel>, #tpu.dimension_semantics<subcore_parallel>], iteration_bounds = array<i64: 2, 16>, scalar_prefetch = 0 : i64, scratch_operands = 2 : i64, tpu.core_type = #tpu.core_type<sc_vector_subcore>, window_params = [{transform_indices = #map}, {transform_indices = #map1}]} {
    %mul3A = arith.constant 16 : i32
    %mul3A_0 = arith.muli %arg0, %mul3A : i32
    %add3A = arith.addi %mul3A_0, %arg1 : i32
    %broadcast_in_dim3A = arith.constant 0.000000e+00 : f32
    %broadcast_in_dim3A_1 = vector.broadcast %broadcast_in_dim3A : f32 to vector<16xf32>
    %broadcast_in_dim3A_2 = arith.constant 1.000000e+00 : f32
    %broadcast_in_dim3A_3 = vector.broadcast %broadcast_in_dim3A_2 : f32 to vector<16xf32>
    %scan3A = arith.constant 0 : i32
    %scan3A_4 = arith.constant 0 : i32
    %scan3A_5 = arith.constant 640 : i32
    %scan3A_6 = arith.addi %scan3A_4, %scan3A_5 : i32
    %scan3A_7 = arith.constant 1 : i32
    scf.for %scan3A_19 = %scan3A_4 to %scan3A_6 step %scan3A_7  : i32 {
      %mul3A_20 = arith.constant 16 : i32
      %mul3A_21 = arith.muli %scan3A_19, %mul3A_20 : i32
      %swap3A = arith.index_cast %mul3A_21 : i32 to index
      %swap3A_22 = tpu.vector_load %arg5[%swap3A] {strides = array<i32>} : memref<10240xf32, #tpu.memory_space<vmem>>, vector<16xf32>,
      tpu.vector_store %arg5[%swap3A], %broadcast_in_dim3A_1 {strides = array<i32>} : memref<10240xf32, #tpu.memory_space<vmem>>, vector<16xf32>,
    }
    %scan3A_8 = arith.constant 640 : i32
    %mul3A_9 = arith.constant 125 : i32
    %mul3A_10 = arith.muli %add3A, %mul3A_9 : i32
    %run_scoped3A = arith.constant 1 : i32
    "tpu.region"() ({
      %run_scoped3A_19 = tpu.sem_alloc : memref<!tpu.dma_semaphore, #tpu.memory_space<semaphore_mem>>
      %dma_start3A = arith.constant 0 : i32
      %dma_start3A_20 = tpu.memref_slice %arg2[%run_scoped3A, %mul3A_10, %dma_start3A] : memref<2x4000x80xi32, #tpu.memory_space<hbm>> -> memref<1x125x80xi32, #tpu.memory_space<hbm>>
      %dma_start3A_21 = tpu.memref_squeeze %dma_start3A_20 : memref<1x125x80xi32, #tpu.memory_space<hbm>> -> memref<125x80xi32, #tpu.memory_space<hbm>>
      %dma_start3A_22 = arith.constant 0 : i32
      %dma_start3A_23 = tpu.memref_slice %arg2[%run_scoped3A, %mul3A_10, %dma_start3A_22] : memref<2x4000x80xi32, #tpu.memory_space<hbm>> -> memref<1x125x80xi32, #tpu.memory_space<hbm>>
      %dma_start3A_24 = tpu.memref_squeeze %dma_start3A_23 : memref<1x125x80xi32, #tpu.memory_space<hbm>> -> memref<125x80xi32, #tpu.memory_space<hbm>>
      tpu.enqueue_dma source(%dma_start3A_24 : memref<125x80xi32, #tpu.memory_space<hbm>>) target(%arg4 : memref<125x80xi32, #tpu.memory_space<vmem>>) target_semaphore(%run_scoped3A_19 : memref<!tpu.dma_semaphore, #tpu.memory_space<semaphore_mem>>)
      %dma_wait3A = arith.constant 0 : i32
      %dma_wait3A_25 = tpu.memref_slice %arg2[%run_scoped3A, %mul3A_10, %dma_wait3A] : memref<2x4000x80xi32, #tpu.memory_space<hbm>> -> memref<1x125x80xi32, #tpu.memory_space<hbm>>
      %dma_wait3A_26 = tpu.memref_squeeze %dma_wait3A_25 : memref<1x125x80xi32, #tpu.memory_space<hbm>> -> memref<125x80xi32, #tpu.memory_space<hbm>>
      %dma_wait3A_27 = arith.constant 0 : i32
      %dma_wait3A_28 = tpu.memref_slice %arg2[%run_scoped3A, %mul3A_10, %dma_wait3A_27] : memref<2x4000x80xi32, #tpu.memory_space<hbm>> -> memref<1x125x80xi32, #tpu.memory_space<hbm>>
      %dma_wait3A_29 = tpu.memref_squeeze %dma_wait3A_28 : memref<1x125x80xi32, #tpu.memory_space<hbm>> -> memref<125x80xi32, #tpu.memory_space<hbm>>
      tpu.wait_dma2 semaphore(%run_scoped3A_19 : memref<!tpu.dma_semaphore, #tpu.memory_space<semaphore_mem>>) src(%dma_wait3A_29 : memref<125x80xi32, #tpu.memory_space<hbm>>) dst(%arg4 : memref<125x80xi32, #tpu.memory_space<vmem>>)
      tpu.yield
    }) : () -> ()
    %scan3A_11 = arith.constant 0 : i32
    %scan3A_12 = arith.constant 0 : i32
    %scan3A_13 = arith.constant 125 : i32
    %scan3A_14 = arith.addi %scan3A_12, %scan3A_13 : i32
    %scan3A_15 = arith.constant 1 : i32
    scf.for %scan3A_19 = %scan3A_12 to %scan3A_14 step %scan3A_15  : i32 {
      %get3A = arith.index_cast %scan3A_19 : i32 to index
      %get3A_20 = arith.constant 0 : index
      %get3A_21 = tpu.vector_load %arg4[%get3A, %get3A_20] {strides = array<i32>} : memref<125x80xi32, #tpu.memory_space<vmem>>, vector<16xi32>,
      tpu.vector_store_idx %arg5[%get3A_21], %broadcast_in_dim3A_3 {add = true} : memref<10240xf32, #tpu.memory_space<vmem>>[vector<16xi32>], vector<16xf32>,
      %get3A_22 = arith.index_cast %scan3A_19 : i32 to index
      %get3A_23 = arith.constant 16 : index
      %get3A_24 = tpu.vector_load %arg4[%get3A_22, %get3A_23] {strides = array<i32>} : memref<125x80xi32, #tpu.memory_space<vmem>>, vector<16xi32>,
      tpu.vector_store_idx %arg5[%get3A_24], %broadcast_in_dim3A_3 {add = true} : memref<10240xf32, #tpu.memory_space<vmem>>[vector<16xi32>], vector<16xf32>,
      %get3A_25 = arith.index_cast %scan3A_19 : i32 to index
      %get3A_26 = arith.constant 32 : index
      %get3A_27 = tpu.vector_load %arg4[%get3A_25, %get3A_26] {strides = array<i32>} : memref<125x80xi32, #tpu.memory_space<vmem>>, vector<16xi32>,
      tpu.vector_store_idx %arg5[%get3A_27], %broadcast_in_dim3A_3 {add = true} : memref<10240xf32, #tpu.memory_space<vmem>>[vector<16xi32>], vector<16xf32>,
      %get3A_28 = arith.index_cast %scan3A_19 : i32 to index
      %get3A_29 = arith.constant 48 : index
      %get3A_30 = tpu.vector_load %arg4[%get3A_28, %get3A_29] {strides = array<i32>} : memref<125x80xi32, #tpu.memory_space<vmem>>, vector<16xi32>,
      tpu.vector_store_idx %arg5[%get3A_30], %broadcast_in_dim3A_3 {add = true} : memref<10240xf32, #tpu.memory_space<vmem>>[vector<16xi32>], vector<16xf32>,
      %get3A_31 = arith.index_cast %scan3A_19 : i32 to index
      %get3A_32 = arith.constant 64 : index
      %get3A_33 = tpu.vector_load %arg4[%get3A_31, %get3A_32] {strides = array<i32>} : memref<125x80xi32, #tpu.memory_space<vmem>>, vector<16xi32>,
      tpu.vector_store_idx %arg5[%get3A_33], %broadcast_in_dim3A_3 {add = true} : memref<10240xf32, #tpu.memory_space<vmem>>[vector<16xi32>], vector<16xf32>,
    }
    %scan3A_16 = arith.constant 125 : i32
    %mul3A_17 = arith.constant 10240 : i32
    %mul3A_18 = arith.muli %add3A, %mul3A_17 : i32
    "tpu.region"() ({
      %run_scoped3A_19 = tpu.sem_alloc : memref<!tpu.dma_semaphore, #tpu.memory_space<semaphore_mem>>
      %dma_start3A = tpu.memref_slice %arg3[%mul3A_18] : memref<327680xf32, #tpu.memory_space<hbm>> -> memref<10240xf32, #tpu.memory_space<hbm>>
      %dma_start3A_20 = tpu.memref_slice %arg3[%mul3A_18] : memref<327680xf32, #tpu.memory_space<hbm>> -> memref<10240xf32, #tpu.memory_space<hbm>>
      tpu.enqueue_dma source(%arg5 : memref<10240xf32, #tpu.memory_space<vmem>>) target(%dma_start3A_20 : memref<10240xf32, #tpu.memory_space<hbm>>) target_semaphore(%run_scoped3A_19 : memref<!tpu.dma_semaphore, #tpu.memory_space<semaphore_mem>>)
      %dma_wait3A = tpu.memref_slice %arg3[%mul3A_18] : memref<327680xf32, #tpu.memory_space<hbm>> -> memref<10240xf32, #tpu.memory_space<hbm>>
      %dma_wait3A_21 = tpu.memref_slice %arg3[%mul3A_18] : memref<327680xf32, #tpu.memory_space<hbm>> -> memref<10240xf32, #tpu.memory_space<hbm>>
      tpu.wait_dma2 semaphore(%run_scoped3A_19 : memref<!tpu.dma_semaphore, #tpu.memory_space<semaphore_mem>>) src(%arg5 : memref<10240xf32, #tpu.memory_space<vmem>>) dst(%dma_wait3A_21 : memref<10240xf32, #tpu.memory_space<hbm>>)
      tpu.yield
    }) : () -> ()
    return
  }
}

module attributes {stable_mosaic.version = 14 : i64} {
  func.func @_t1_body(%arg0: i32, %arg1: memref<2000x128xf32, #tpu.memory_space<vmem>>, %arg2: memref<128x128xf32, #tpu.memory_space<vmem>>, %arg3: memref<2000x32xf32, #tpu.memory_space<vmem>>, %arg4: memref<2000x128xf32, #tpu.memory_space<vmem>>, %arg5: memref<2000x1xf32, #tpu.memory_space<vmem>>) attributes {dimension_semantics = [#tpu.dimension_semantics<arbitrary>], iteration_bounds = array<i64: 5>, scalar_prefetch = 0 : i64, scratch_operands = 0 : i64, tpu.core_type = #tpu.core_type<tc>, window_params = [{transform_indices = @transform_0, window_bounds = array<i64: 2000, 128>}, {pipeline_mode = #tpu.pipeline_mode<synchronous>, transform_indices = @transform_1, window_bounds = array<i64: 128, 128>}, {transform_indices = @transform_2, window_bounds = array<i64: 2000, 32>}, {transform_indices = @transform_3, window_bounds = array<i64: 2000, 128>}, {transform_indices = @transform_4, window_bounds = array<i64: 2000, 1>}]} {
    %get3A = arith.constant 0 : index
    %get3A_0 = arith.constant 0 : index
    %get3A_1 = vector.load %arg3[%get3A, %get3A_0] : memref<2000x32xf32, #tpu.memory_space<vmem>>, vector<2000x32xf32>
    %reduce_sum3A = arith.constant dense<0.000000e+00> : vector<2000xf32>
    %reduce_sum3A_2 = vector.multi_reduction <add>, %get3A_1, %reduce_sum3A [1] : vector<2000x32xf32> to vector<2000xf32>
    %add3A = arith.constant 1.000000e+00 : f32
    %add3A_3 = vector.broadcast %add3A : f32 to vector<2000xf32>
    %add3A_4 = arith.addf %add3A_3, %reduce_sum3A_2 : vector<2000xf32>
    %rsqrt3A = math.rsqrt %add3A_4 : vector<2000xf32>
    %broadcast_in_dim3A = vector.shape_cast %rsqrt3A : vector<2000xf32> to vector<2000x1xf32>
    %get3A_5 = arith.constant 0 : index
    %get3A_6 = arith.constant 0 : index
    %get3A_7 = vector.load %arg1[%get3A_5, %get3A_6] : memref<2000x128xf32, #tpu.memory_space<vmem>>, vector<2000x128xf32>
    %get3A_8 = arith.constant 0 : index
    %get3A_9 = arith.constant 0 : index
    %get3A_10 = vector.load %arg2[%get3A_8, %get3A_9] : memref<128x128xf32, #tpu.memory_space<vmem>>, vector<128x128xf32>
    %dot_general3A = arith.constant dense<0.000000e+00> : vector<2000x128xf32>
    %dot_general3A_11 = tpu.matmul %get3A_7, %get3A_10, %dot_general3A {dimension_numbers = #tpu.dot_dimension_numbers<[1], [0], [0], [1], [0, 0, 1, 1], [], []>, transpose_lhs_hint = false} : vector<2000x128xf32>, vector<128x128xf32>, vector<2000x128xf32> -> vector<2000x128xf32>
    %mul3A = vector.broadcast %broadcast_in_dim3A : vector<2000x1xf32> to vector<2000x128xf32>
    %mul3A_12 = arith.mulf %mul3A, %dot_general3A_11 : vector<2000x128xf32>
    %swap3A = arith.constant 0 : index
    %swap3A_13 = arith.constant 0 : index
    %swap3A_14 = vector.load %arg4[%swap3A, %swap3A_13] : memref<2000x128xf32, #tpu.memory_space<vmem>>, vector<2000x128xf32>
    tpu.vector_store %arg4[%swap3A, %swap3A_13], %mul3A_12 {strides = array<i32>} : memref<2000x128xf32, #tpu.memory_space<vmem>>, vector<2000x128xf32>,
    %swap3A_15 = arith.constant 0 : index
    %swap3A_16 = arith.constant 0 : index
    %swap3A_17 = vector.load %arg5[%swap3A_15, %swap3A_16] : memref<2000x1xf32, #tpu.memory_space<vmem>>, vector<2000x1xf32>
    tpu.vector_store %arg5[%swap3A_15, %swap3A_16], %broadcast_in_dim3A {strides = array<i32>} : memref<2000x1xf32, #tpu.memory_space<vmem>>, vector<2000x1xf32>,
    return
  }
  func.func @transform_0(%arg0: i32) -> (i32, i32) {
    %c0_i32 = arith.constant 0 : i32
    %c0_i32_0 = arith.constant 0 : i32
    return %arg0, %c0_i32 : i32, i32
  }
  func.func @transform_1(%arg0: i32) -> (i32, i32) {
    %c0_i32 = arith.constant 0 : i32
    %c0_i32_0 = arith.constant 0 : i32
    %c0_i32_1 = arith.constant 0 : i32
    return %c0_i32, %c0_i32_0 : i32, i32
  }
  func.func @transform_2(%arg0: i32) -> (i32, i32) {
    %c0_i32 = arith.constant 0 : i32
    %c0_i32_0 = arith.constant 0 : i32
    return %arg0, %c0_i32 : i32, i32
  }
  func.func @transform_3(%arg0: i32) -> (i32, i32) {
    %c0_i32 = arith.constant 0 : i32
    %c0_i32_0 = arith.constant 0 : i32
    return %arg0, %c0_i32 : i32, i32
  }
  func.func @transform_4(%arg0: i32) -> (i32, i32) {
    %c0_i32 = arith.constant 0 : i32
    %c0_i32_0 = arith.constant 0 : i32
    return %arg0, %c0_i32 : i32, i32
  }
}

module attributes {stable_mosaic.version = 14 : i64} {
  func.func @_t2_body(%arg0: i32, %arg1: memref<2x2000x128xf32, #tpu.memory_space<vmem>>, %arg2: memref<2000x128xf32, #tpu.memory_space<vmem>>, %arg3: memref<2000x1xf32, #tpu.memory_space<vmem>>, %arg4: memref<1x128xf32, #tpu.memory_space<vmem>>, %arg5: memref<128x64xf32, #tpu.memory_space<vmem>>, %arg6: memref<2000x64xf32, #tpu.memory_space<vmem>>) attributes {dimension_semantics = [#tpu.dimension_semantics<arbitrary>], iteration_bounds = array<i64: 5>, scalar_prefetch = 0 : i64, scratch_operands = 0 : i64, tpu.core_type = #tpu.core_type<tc>, window_params = [{transform_indices = @transform_0, window_bounds = array<i64: 2, 2000, 128>}, {transform_indices = @transform_1, window_bounds = array<i64: 2000, 128>}, {transform_indices = @transform_2, window_bounds = array<i64: 2000, 1>}, {pipeline_mode = #tpu.pipeline_mode<synchronous>, transform_indices = @transform_3, window_bounds = array<i64: 1, 128>}, {pipeline_mode = #tpu.pipeline_mode<synchronous>, transform_indices = @transform_4, window_bounds = array<i64: 128, 64>}, {transform_indices = @transform_5, window_bounds = array<i64: 2000, 64>}]} {
    %get3A = arith.constant 0 : index
    %get3A_0 = arith.constant 0 : index
    %get3A_1 = vector.load %arg3[%get3A, %get3A_0] : memref<2000x1xf32, #tpu.memory_space<vmem>>, vector<2000x1xf32>
    %get3A_2 = arith.constant 0 : index
    %get3A_3 = arith.constant 0 : index
    %get3A_4 = arith.constant 0 : index
    %get3A_5 = vector.load %arg1[%get3A_2, %get3A_3, %get3A_4] : memref<2x2000x128xf32, #tpu.memory_space<vmem>>, vector<1x2000x128xf32>
    %get3A_6 = vector.shape_cast %get3A_5 : vector<1x2000x128xf32> to vector<2000x128xf32>
    %get3A_7 = arith.constant 1 : index
    %get3A_8 = arith.constant 0 : index
    %get3A_9 = arith.constant 0 : index
    %get3A_10 = vector.load %arg1[%get3A_7, %get3A_8, %get3A_9] : memref<2x2000x128xf32, #tpu.memory_space<vmem>>, vector<1x2000x128xf32>
    %get3A_11 = vector.shape_cast %get3A_10 : vector<1x2000x128xf32> to vector<2000x128xf32>
    %add3A = arith.addf %get3A_6, %get3A_11 : vector<2000x128xf32>
    %get3A_12 = arith.constant 0 : index
    %get3A_13 = arith.constant 0 : index
    %get3A_14 = vector.load %arg2[%get3A_12, %get3A_13] : memref<2000x128xf32, #tpu.memory_space<vmem>>, vector<2000x128xf32>
    %add3A_15 = arith.addf %add3A, %get3A_14 : vector<2000x128xf32>
    %mul3A = vector.broadcast %get3A_1 : vector<2000x1xf32> to vector<2000x128xf32>
    %mul3A_16 = arith.mulf %mul3A, %add3A_15 : vector<2000x128xf32>
    %get3A_17 = arith.constant 0 : index
    %get3A_18 = arith.constant 0 : index
    %get3A_19 = vector.load %arg4[%get3A_17, %get3A_18] : memref<1x128xf32, #tpu.memory_space<vmem>>, vector<1x128xf32>
    %add3A_20 = vector.broadcast %get3A_19 : vector<1x128xf32> to vector<2000x128xf32>
    %add3A_21 = arith.addf %mul3A_16, %add3A_20 : vector<2000x128xf32>
    %max3A = arith.constant 0.000000e+00 : f32
    %max3A_22 = vector.broadcast %max3A : f32 to vector<2000x128xf32>
    %max3A_23 = arith.maximumf %add3A_21, %max3A_22 : vector<2000x128xf32>
    %get3A_24 = arith.constant 0 : index
    %get3A_25 = arith.constant 0 : index
    %get3A_26 = vector.load %arg5[%get3A_24, %get3A_25] : memref<128x64xf32, #tpu.memory_space<vmem>>, vector<128x64xf32>
    %dot_general3A = arith.constant dense<0.000000e+00> : vector<2000x64xf32>
    %dot_general3A_27 = tpu.matmul %max3A_23, %get3A_26, %dot_general3A {dimension_numbers = #tpu.dot_dimension_numbers<[1], [0], [0], [1], [0, 0, 1, 1], [], []>, transpose_lhs_hint = false} : vector<2000x128xf32>, vector<128x64xf32>, vector<2000x64xf32> -> vector<2000x64xf32>
    %mul3A_28 = vector.broadcast %get3A_1 : vector<2000x1xf32> to vector<2000x64xf32>
    %mul3A_29 = arith.mulf %mul3A_28, %dot_general3A_27 : vector<2000x64xf32>
    %swap3A = arith.constant 0 : index
    %swap3A_30 = arith.constant 0 : index
    %swap3A_31 = vector.load %arg6[%swap3A, %swap3A_30] : memref<2000x64xf32, #tpu.memory_space<vmem>>, vector<2000x64xf32>
    tpu.vector_store %arg6[%swap3A, %swap3A_30], %mul3A_29 {strides = array<i32>} : memref<2000x64xf32, #tpu.memory_space<vmem>>, vector<2000x64xf32>,
    return
  }
  func.func @transform_0(%arg0: i32) -> (i32, i32, i32) {
    %c0_i32 = arith.constant 0 : i32
    %c0_i32_0 = arith.constant 0 : i32
    %c0_i32_1 = arith.constant 0 : i32
    return %c0_i32, %arg0, %c0_i32_0 : i32, i32, i32
  }
  func.func @transform_1(%arg0: i32) -> (i32, i32) {
    %c0_i32 = arith.constant 0 : i32
    %c0_i32_0 = arith.constant 0 : i32
    return %arg0, %c0_i32 : i32, i32
  }
  func.func @transform_2(%arg0: i32) -> (i32, i32) {
    %c0_i32 = arith.constant 0 : i32
    %c0_i32_0 = arith.constant 0 : i32
    return %arg0, %c0_i32 : i32, i32
  }
  func.func @transform_3(%arg0: i32) -> (i32, i32) {
    %c0_i32 = arith.constant 0 : i32
    %c0_i32_0 = arith.constant 0 : i32
    %c0_i32_1 = arith.constant 0 : i32
    return %c0_i32, %c0_i32_0 : i32, i32
  }
  func.func @transform_4(%arg0: i32) -> (i32, i32) {
    %c0_i32 = arith.constant 0 : i32
    %c0_i32_0 = arith.constant 0 : i32
    %c0_i32_1 = arith.constant 0 : i32
    return %c0_i32, %c0_i32_0 : i32, i32
  }
  func.func @transform_5(%arg0: i32) -> (i32, i32) {
    %c0_i32 = arith.constant 0 : i32
    %c0_i32_0 = arith.constant 0 : i32
    return %arg0, %c0_i32 : i32, i32
  }
}

module attributes {stable_mosaic.version = 14 : i64} {
  func.func @_t3_body(%arg0: i32, %arg1: memref<2x2000x64xf32, #tpu.memory_space<vmem>>, %arg2: memref<2000x64xf32, #tpu.memory_space<vmem>>, %arg3: memref<2000x1xf32, #tpu.memory_space<vmem>>, %arg4: memref<1x64xf32, #tpu.memory_space<vmem>>, %arg5: memref<64x128xf32, #tpu.memory_space<vmem>>, %arg6: memref<1x128xf32, #tpu.memory_space<vmem>>, %arg7: memref<128x128xf32, #tpu.memory_space<vmem>>, %arg8: memref<1x128xf32, #tpu.memory_space<vmem>>, %arg9: memref<2000x128xf32, #tpu.memory_space<vmem>>) attributes {dimension_semantics = [#tpu.dimension_semantics<arbitrary>], iteration_bounds = array<i64: 5>, scalar_prefetch = 0 : i64, scratch_operands = 0 : i64, tpu.core_type = #tpu.core_type<tc>, window_params = [{transform_indices = @transform_0, window_bounds = array<i64: 2, 2000, 64>}, {transform_indices = @transform_1, window_bounds = array<i64: 2000, 64>}, {transform_indices = @transform_2, window_bounds = array<i64: 2000, 1>}, {pipeline_mode = #tpu.pipeline_mode<synchronous>, transform_indices = @transform_3, window_bounds = array<i64: 1, 64>}, {pipeline_mode = #tpu.pipeline_mode<synchronous>, transform_indices = @transform_4, window_bounds = array<i64: 64, 128>}, {pipeline_mode = #tpu.pipeline_mode<synchronous>, transform_indices = @transform_5, window_bounds = array<i64: 1, 128>}, {pipeline_mode = #tpu.pipeline_mode<synchronous>, transform_indices = @transform_6, window_bounds = array<i64: 128, 128>}, {pipeline_mode = #tpu.pipeline_mode<synchronous>, transform_indices = @transform_7, window_bounds = array<i64: 1, 128>}, {transform_indices = @transform_8, window_bounds = array<i64: 2000, 128>}]} {
    %get3A = arith.constant 0 : index
    %get3A_0 = arith.constant 0 : index
    %get3A_1 = vector.load %arg3[%get3A, %get3A_0] : memref<2000x1xf32, #tpu.memory_space<vmem>>, vector<2000x1xf32>
    %get3A_2 = arith.constant 0 : index
    %get3A_3 = arith.constant 0 : index
    %get3A_4 = arith.constant 0 : index
    %get3A_5 = vector.load %arg1[%get3A_2, %get3A_3, %get3A_4] : memref<2x2000x64xf32, #tpu.memory_space<vmem>>, vector<1x2000x64xf32>
    %get3A_6 = vector.shape_cast %get3A_5 : vector<1x2000x64xf32> to vector<2000x64xf32>
    %get3A_7 = arith.constant 1 : index
    %get3A_8 = arith.constant 0 : index
    %get3A_9 = arith.constant 0 : index
    %get3A_10 = vector.load %arg1[%get3A_7, %get3A_8, %get3A_9] : memref<2x2000x64xf32, #tpu.memory_space<vmem>>, vector<1x2000x64xf32>
    %get3A_11 = vector.shape_cast %get3A_10 : vector<1x2000x64xf32> to vector<2000x64xf32>
    %add3A = arith.addf %get3A_6, %get3A_11 : vector<2000x64xf32>
    %get3A_12 = arith.constant 0 : index
    %get3A_13 = arith.constant 0 : index
    %get3A_14 = vector.load %arg2[%get3A_12, %get3A_13] : memref<2000x64xf32, #tpu.memory_space<vmem>>, vector<2000x64xf32>
    %add3A_15 = arith.addf %add3A, %get3A_14 : vector<2000x64xf32>
    %mul3A = vector.broadcast %get3A_1 : vector<2000x1xf32> to vector<2000x64xf32>
    %mul3A_16 = arith.mulf %mul3A, %add3A_15 : vector<2000x64xf32>
    %get3A_17 = arith.constant 0 : index
    %get3A_18 = arith.constant 0 : index
    %get3A_19 = vector.load %arg4[%get3A_17, %get3A_18] : memref<1x64xf32, #tpu.memory_space<vmem>>, vector<1x64xf32>
    %add3A_20 = vector.broadcast %get3A_19 : vector<1x64xf32> to vector<2000x64xf32>
    %add3A_21 = arith.addf %mul3A_16, %add3A_20 : vector<2000x64xf32>
    %get3A_22 = arith.constant 0 : index
    %get3A_23 = arith.constant 0 : index
    %get3A_24 = vector.load %arg5[%get3A_22, %get3A_23] : memref<64x128xf32, #tpu.memory_space<vmem>>, vector<64x128xf32>
    %dot_general3A = arith.constant dense<0.000000e+00> : vector<2000x128xf32>
    %dot_general3A_25 = tpu.matmul %add3A_21, %get3A_24, %dot_general3A {dimension_numbers = #tpu.dot_dimension_numbers<[1], [0], [0], [1], [0, 0, 1, 1], [], []>, transpose_lhs_hint = false} : vector<2000x64xf32>, vector<64x128xf32>, vector<2000x128xf32> -> vector<2000x128xf32>
    %get3A_26 = arith.constant 0 : index
    %get3A_27 = arith.constant 0 : index
    %get3A_28 = vector.load %arg6[%get3A_26, %get3A_27] : memref<1x128xf32, #tpu.memory_space<vmem>>, vector<1x128xf32>
    %add3A_29 = vector.broadcast %get3A_28 : vector<1x128xf32> to vector<2000x128xf32>
    %add3A_30 = arith.addf %dot_general3A_25, %add3A_29 : vector<2000x128xf32>
    %max3A = arith.constant 0.000000e+00 : f32
    %max3A_31 = vector.broadcast %max3A : f32 to vector<2000x128xf32>
    %max3A_32 = arith.maximumf %add3A_30, %max3A_31 : vector<2000x128xf32>
    %get3A_33 = arith.constant 0 : index
    %get3A_34 = arith.constant 0 : index
    %get3A_35 = vector.load %arg7[%get3A_33, %get3A_34] : memref<128x128xf32, #tpu.memory_space<vmem>>, vector<128x128xf32>
    %dot_general3A_36 = arith.constant dense<0.000000e+00> : vector<2000x128xf32>
    %dot_general3A_37 = tpu.matmul %max3A_32, %get3A_35, %dot_general3A_36 {dimension_numbers = #tpu.dot_dimension_numbers<[1], [0], [0], [1], [0, 0, 1, 1], [], []>, transpose_lhs_hint = false} : vector<2000x128xf32>, vector<128x128xf32>, vector<2000x128xf32> -> vector<2000x128xf32>
    %get3A_38 = arith.constant 0 : index
    %get3A_39 = arith.constant 0 : index
    %get3A_40 = vector.load %arg8[%get3A_38, %get3A_39] : memref<1x128xf32, #tpu.memory_space<vmem>>, vector<1x128xf32>
    %add3A_41 = vector.broadcast %get3A_40 : vector<1x128xf32> to vector<2000x128xf32>
    %add3A_42 = arith.addf %dot_general3A_37, %add3A_41 : vector<2000x128xf32>
    %swap3A = arith.constant 0 : index
    %swap3A_43 = arith.constant 0 : index
    %swap3A_44 = vector.load %arg9[%swap3A, %swap3A_43] : memref<2000x128xf32, #tpu.memory_space<vmem>>, vector<2000x128xf32>
    tpu.vector_store %arg9[%swap3A, %swap3A_43], %add3A_42 {strides = array<i32>} : memref<2000x128xf32, #tpu.memory_space<vmem>>, vector<2000x128xf32>,
    return
  }
  func.func @transform_0(%arg0: i32) -> (i32, i32, i32) {
    %c0_i32 = arith.constant 0 : i32
    %c0_i32_0 = arith.constant 0 : i32
    %c0_i32_1 = arith.constant 0 : i32
    return %c0_i32, %arg0, %c0_i32_0 : i32, i32, i32
  }
  func.func @transform_1(%arg0: i32) -> (i32, i32) {
    %c0_i32 = arith.constant 0 : i32
    %c0_i32_0 = arith.constant 0 : i32
    return %arg0, %c0_i32 : i32, i32
  }
  func.func @transform_2(%arg0: i32) -> (i32, i32) {
    %c0_i32 = arith.constant 0 : i32
    %c0_i32_0 = arith.constant 0 : i32
    return %arg0, %c0_i32 : i32, i32
  }
  func.func @transform_3(%arg0: i32) -> (i32, i32) {
    %c0_i32 = arith.constant 0 : i32
    %c0_i32_0 = arith.constant 0 : i32
    %c0_i32_1 = arith.constant 0 : i32
    return %c0_i32, %c0_i32_0 : i32, i32
  }
  func.func @transform_4(%arg0: i32) -> (i32, i32) {
    %c0_i32 = arith.constant 0 : i32
    %c0_i32_0 = arith.constant 0 : i32
    %c0_i32_1 = arith.constant 0 : i32
    return %c0_i32, %c0_i32_0 : i32, i32
  }
  func.func @transform_5(%arg0: i32) -> (i32, i32) {
    %c0_i32 = arith.constant 0 : i32
    %c0_i32_0 = arith.constant 0 : i32
    %c0_i32_1 = arith.constant 0 : i32
    return %c0_i32, %c0_i32_0 : i32, i32
  }
  func.func @transform_6(%arg0: i32) -> (i32, i32) {
    %c0_i32 = arith.constant 0 : i32
    %c0_i32_0 = arith.constant 0 : i32
    %c0_i32_1 = arith.constant 0 : i32
    return %c0_i32, %c0_i32_0 : i32, i32
  }
  func.func @transform_7(%arg0: i32) -> (i32, i32) {
    %c0_i32 = arith.constant 0 : i32
    %c0_i32_0 = arith.constant 0 : i32
    %c0_i32_1 = arith.constant 0 : i32
    return %c0_i32, %c0_i32_0 : i32, i32
  }
  func.func @transform_8(%arg0: i32) -> (i32, i32) {
    %c0_i32 = arith.constant 0 : i32
    %c0_i32_0 = arith.constant 0 : i32
    return %arg0, %c0_i32 : i32, i32
  }
}

</mosaic_0001>

<sc_bundles>
// kernel: kernel.11.cloned.1.call-start
scs
__scs_entry_jumppad:
0x0: {  	(pc) =	sbr.rel $0x88, $3  }
0x1: {  	(tag) =	ssettag $0x0;
	lr =	simm.s32 $0x1  }
0x2: {  	[smem:$0x3F97] =	sst lr;
	_ =	strace $0xD0000000  }
0x3: {  	_ = 	snop  }
0x4: {  	_ = 	snop  }
0x5: {  	_ = 	snop  }
0x6: {  	_ = 	snop  }
0x7: {  	_ = 	snop  }
__scs_overlays_trampoline_lowered:
0x8: {  	[smem:$0x3FA6] =	sst s0  }
0x9: {  	[smem:$0x3FA7] =	sst s1  }
0xa: {  	[smem:$0x3FA8] =	sst s2  }
0xb: {  	[smem:$0x3FA9] =	sst s3  }
0xc: {  	[smem:$0x3FAA] =	sst s4  }
0xd: {  	[smem:$0x3FAB] =	sst s5  }
0xe: {  	[smem:$0x3FAC] =	sst s6  }
0xf: {  	[smem:$0x3FAD] =	sst s7  }
0x10: {  	[smem:$0x3FAE] =	sst s8  }
0x11: {  	[smem:$0x3FAF] =	sst s9;
	s0 =	simm.s32 @!p0 $0x0  }
0x12: {  	s1 =	sld [smem:$0x3F95];
	s0 =	simm.s32 @p0 $0x1  }
0x13: {  	[smem:$0x3FB0] =	sst s0;
	s0 =	simm.s32 @!p1 $0x0  }
0x14: {  	s2 =	sld [smem:$0x3F94];
	s0 =	simm.s32 @p1 $0x1  }
0x15: {  	[smem:$0x3FB1] =	sst s0;
	s0 =	simm.s32 @!p2 $0x0  }
0x16: {  	s3 =	sld [smem:$0x3FDB];
	s0 =	simm.s32 @p2 $0x1  }
0x17: {  	s4 =	simm.s32 $0x1BF5;
	[smem:$0x3FB3] =	sst s0  }
0x18: {  	s0 =	sld [smem:$0x3F96];
	_ =	swait.ge [sflag:s4], $0x0  }
0x19: {  	s7 =	sld [smem:$0x3F97]  }
0x1a: {  	s8 =	sadd.s32 $0xFFFFE003, lr  }
0x1b: {  	s9 =	sadd.s32 $0xFFFFFEF7, lr;
	s5 =	simm.s32 $0xFFFFFFFF;
	p2 =	slt.u32 s8, $0xFFFFF086  }
0x1c: {  	p1 =	slt.u32 s9, $0xF7A;
	s5 =	simm.s32 @!p2 $0x0  }
0x1d: {  	s5 =	simm.s32 @p1 $0x1;
	p0 =	seq.s32 s7, s2  }
0x1e: {  	s7 =	smul.u32 @!p0 $0xF7A, s2;
	p2 =	seq.s32 @!p0 s5, $0x0  }
0x1f: {  	s9 =	smul.u32 $0xF7A, s1;
	s8 =	simm.s32 @!p0 $0x1BF5;
	p2 =	por !p2, p0  }
0x20: {  	[sflag:s8] =	ssyncset.s32 @!p0 $0xFFFFF086;
	s6 =	sadd.s32 @!p0 s3, s7;
	s7 =	simm.s32 @!p0 $0x108  }
0x21: {  	s3 =	sadd.s32 s3, s9;
	s6 =	sadd.s32 @!p0 $0x88, s6;
	s7 =	simm.s32 @p2 $0x1082  }
0x22: {  	[simem:s7], [sflag:s8] =	dma.local @!p0 [hbm:s6], $0xF7A  }
0x23: {  	s9 =	sor.u32 $0xD0000000, s2;
	s6 =	simm.s32 $0x108;
	_ =	swait.ge @!p0 [sflag:s8], $0x0  }
0x24: {  	s3 =	sadd.s32 $0x88, s3;
	s6 =	simm.s32 @!p1 $0x1082;
	[sflag:s4] =	ssyncset.s32 $0xFFFFF086  }
0x25: {  	[simem:s6], [sflag:s4] =	dma.local [hbm:s3], $0xF7A  }
0x26: {  	[smem:$0x3F97] =	sst s1;
	(tag) =	ssettag s2;
	_ =	strace s9  }
0x27: {  	s1 =	sld [smem:$0x3FA7]  }
0x28: {  	s2 =	sld [smem:$0x3FA8]  }
0x29: {  	s4 =	sld [smem:$0x3FAA]  }
0x2a: {  	p0 =	seq.s32 s5, $0x0;
	s5 =	sld [smem:$0x3FAB]  }
0x2b: {  	s6 =	sld [smem:$0x3FAC]  }
0x2c: {  	s7 =	sld [smem:$0x3FAD]  }
0x2d: {  	s3 =	simm.s32 $0x108;
	s8 =	sld [smem:$0x3FAE]  }
0x2e: {  	s3 =	simm.s32 @!p0 $0x1082;
	s9 =	sld [smem:$0x3FAF]  }
0x2f: {  	lr =	sadd.s32 s0, s3;
	s0 =	sld [smem:$0x3FA6]  }
0x30: {  	s3 =	sld [smem:$0x3FA9]  }
0x31: {  	[smem:$0x3FB2] =	sst s10  }
0x32: {  	s10 =	sld [smem:$0x3FB0];
	_ =	sdelay $0x3  }
0x33: {  	p0 =	seq.s32 s10, $0x1;
	s10 =	sld [smem:$0x3FB2];
	_ =	sdelay $0x3  }
0x34: {  	[smem:$0x3FB2] =	sst s10  }
0x35: {  	s10 =	sld [smem:$0x3FB1];
	_ =	sdelay $0x3  }
0x36: {  	p1 =	seq.s32 s10, $0x1;
	s10 =	sld [smem:$0x3FB2];
	_ =	sdelay $0x3  }
0x37: {  	[smem:$0x3FB2] =	sst s10  }
0x38: {  	s10 =	sld [smem:$0x3FB3]  }
0x39: {  	_ = 	snop;
	(pc) =	sbr.ind lr, $3  }
0x3a: {  	_ = 	snop  }
0x3b: {  	_ = 	snop  }
0x3c: {  	p2 =	seq.s32 s10, $0x1;
	s10 =	sld [smem:$0x3FB2]  }
0x3d: {  	_ =	shalt  }
0x3e: {  	_ =	shalt  }
0x3f: {  	_ =	shalt  }
0x40: {  	_ =	shalt  }
0x41: {  	_ =	shalt  }
0x42: {  	_ =	shalt  }
0x43: {  	_ =	shalt  }
0x44: {  	_ =	shalt  }
0x45: {  	_ =	shalt  }
0x46: {  	_ =	shalt  }
0x47: {  	_ =	shalt  }
0x48: {  	_ =	shalt  }
0x49: {  	_ =	shalt  }
0x4a: {  	_ =	shalt  }
0x4b: {  	_ =	shalt  }
0x4c: {  	_ =	shalt  }
0x4d: {  	_ =	shalt  }
0x4e: {  	_ =	shalt  }
0x4f: {  	_ =	shalt  }
0x50: {  	_ =	shalt  }
0x51: {  	_ =	shalt  }
0x52: {  	_ =	shalt  }
0x53: {  	_ =	shalt  }
0x54: {  	_ =	shalt  }
0x55: {  	_ =	shalt  }
0x56: {  	_ =	shalt  }
0x57: {  	_ =	shalt  }
0x58: {  	_ =	shalt  }
0x59: {  	_ =	shalt  }
0x5a: {  	_ =	shalt  }
0x5b: {  	_ =	shalt  }
0x5c: {  	_ =	shalt  }
0x5d: {  	_ =	shalt  }
0x5e: {  	_ =	shalt  }
0x5f: {  	_ =	shalt  }
0x60: {  	_ =	shalt  }
0x61: {  	_ =	shalt  }
0x62: {  	_ =	shalt  }
0x63: {  	_ =	shalt  }
0x64: {  	_ =	shalt  }
0x65: {  	_ =	shalt  }
0x66: {  	_ =	shalt  }
0x67: {  	_ =	shalt  }
0x68: {  	_ =	shalt  }
0x69: {  	_ =	shalt  }
0x6a: {  	_ =	shalt  }
0x6b: {  	_ =	shalt  }
0x6c: {  	_ =	shalt  }
0x6d: {  	_ =	shalt  }
0x6e: {  	_ =	shalt  }
0x6f: {  	_ =	shalt  }
0x70: {  	_ =	shalt  }
0x71: {  	_ =	shalt  }
0x72: {  	_ =	shalt  }
0x73: {  	_ =	shalt  }
0x74: {  	_ =	shalt  }
0x75: {  	_ =	shalt  }
0x76: {  	_ =	shalt  }
0x77: {  	_ =	shalt  }
0x78: {  	_ =	shalt  }
0x79: {  	_ =	shalt  }
0x7a: {  	_ =	shalt  }
0x7b: {  	_ =	shalt  }
0x7c: {  	_ =	shalt  }
0x7d: {  	_ =	shalt  }
0x7e: {  	_ =	shalt  }
0x7f: {  	_ =	shalt  }
0x80: {  	_ =	shalt  }
0x81: {  	_ =	shalt  }
0x82: {  	_ =	shalt  }
0x83: {  	_ =	shalt  }
0x84: {  	_ =	shalt  }
0x85: {  	_ =	shalt  }
0x86: {  	_ =	shalt  }
0x87: {  	_ =	shalt  }
.Lfunc_end0:
.L_simem_size_0:
called_computation.1_lowered:
.L_overlay_start_0:
0x88: {  	s2 =	sld [smem:$0x3FD9]  }
0x89: {  	s3 =	sld [smem:$0x3FFE];
	_ =	sdelay $0x1  }
0x8a: {  	s1 =	srdreg.scid  }
0x8b: {  	s0 =	sand.u32 $0x1, s1  }
0x8c: {  	s17 =	sshll.u32 s0, $0xA;
	s2 =	sadd.s32 s3, s2  }
0x8d: {  	s2 =	sadd.s32 s2, s17  }
0x8e: {  	[smem:$0x3FBE] =	sst s2  }
0x8f: {  	_ = 	snop  }
0x90: {  	s2 =	sld [smem:$0x3FD0];
	(tm) =	ssettm $0x1  }
0x91: {  	s18 =	sld [smem:$0x3FFB];
	_ =	sdelay $0x3  }
0x92: {  	_ =	strace s18  }
0x93: {  	s3 =	sld [smem:$0x3FFC];
	_ =	sdelay $0x3  }
0x94: {  	_ =	strace s3  }
0x95: {  	s3 =	sld [smem:$0x3FFD];
	_ =	sdelay $0x3  }
0x96: {  	_ =	strace s3  }
0x97: {  	_ =	strace $0x8FFFFFFF  }
0x98: {  	s19 =	sld [smem:$0x3FDB];
	_ =	sdelay $0x1  }
0x99: {  	s4 =	simm.s32 $_scs_section_size  }
0x9a: {  	s5 =	simm.s32 $_size__tile_overlayer_lowered;
	s6 =	simm.s32 $_tile_overlayer_lowered  }
0x9b: {  	s22 =	simm.s32 $0x1BFF;
	s21 =	sshll.u32 s6, $0x1;
	s3 =	sadd.s32 s4, s19  }
0x9c: {  	s7 =	simm.s32 $0x0;
	s20 =	sshll.u32 s5, $0x1;
	s5 =	sadd.s32 s21, s3  }
0x9d: {  	[timem:s7], [sflag:s22] =	dma.local [hbm:s5], s20  }
0x9e: {  	_ =	swait.ge [sflag:s22], s20  }
0x9f: {  	s4 =	ssub.s32 $0x0, s20;
	[sflag:s22] =	ssyncset.done $0x0  }
0xa0: {  	[sflag:s22] =	ssyncadd.s32 s4;
	_ =	sdelay $0x1  }
0xa1: {  	s23 =	simm.s32 $0x1B8B  }
0xa2: {  	_ =	swait.ge [sflag:s23], $0x1  }
0xa3: {  	[sflag:s23] =	ssyncset.done $0x0  }
0xa4: {  	s25 =	simm.s32 $0x1B8E;
	s24 =	sld [smem:$0x3FFE];
	[sflag:s23] =	ssyncadd.s32 $0xFFFFFFFF  }
0xa5: {  	s26 =	simm.s32 $execute0_lowered;
	[smem:$0x3FD2] =	sst s25  }
0xa6: {  	s5 =	sshll.u32 s26, $0x1;
	_ =	strace $0x80000049;
	[dreg:$0x1] =	wrdreg $0xFFFFFFFF  }
0xa7: {  	s28 =	simm.s32 $_size_execute0_lowered;
	s3 =	sadd.s32 s3, s5;
	[dreg:$0x0] =	wrdreg $0x0  }
0xa8: {  	s5 =	sshll.u32 s28, $0x1;
	[dreg:$0x2] =	wrdreg s3  }
0xa9: {  	[dreg:$0x3] =	wrdreg s5  }
0xaa: {  	[dreg:$0x4] =	wrdreg $0xC0  }
0xab: {  	_ =	task [dreg:s7], $0x5FFFF  }
0xac: {  	[dreg:$0x1] =	wrdreg $0xFFFFFFFF  }
0xad: {  	[dreg:$0x0] =	wrdreg $0x60  }
0xae: {  	[dreg:$0x2] =	wrdreg s2  }
0xaf: {  	[dreg:$0x3] =	wrdreg s24  }
0xb0: {  	[dreg:$0x4] =	wrdreg $0xC6200  }
0xb1: {  	[dreg:$0x5] =	wrdreg $0x9  }
0xb2: {  	_ =	task.clear_ibuf [dreg:s7], $0x6FFFF;
	_ =	strace $0x90000049  }
0xb3: {  	s29 =	simm.s32 $0x9;
	_ =	strace $0x8000004B  }
0xb4: {  	_ =	swait.ge [sflag:s29], $0x1  }
0xb5: {  	[sflag:s29] =	ssyncadd.s32 $0xFFFFFFFF  }
0xb6: {  	_ =	strace $0x9000004B  }
0xb7: {  	_ =	sfence  }
0xb8: {  	s30 =	sld [smem:$0x0];
	_ =	sdelay $0x2  }
0xb9: {  	s31 =	sshll.u32 s1, $0xD;
	s1 =	sshrl.u32 s1, $0x2  }
0xba: {  	s3 =	sand.u32 $0x4000, s31;
	s1 =	sadd.s32 s1, s30  }
0xbb: {  	s0 =	sor.u32 s3, s0;
	s1 =	sshll.u32 s1, $0x11  }
0xbc: {  	s0 =	sor.u32 s1, s0  }
0xbd: {  	s0 =	sadd.s32 $0x8F2B, s0  }
0xbe: {  	[sflag:s0] =	ssyncadd.remote.s32 $0x1  }
0xbf: {  	_ =	sfence.sel $0xFFFF  }
0xc0: {  	[dreg:$0x0] =	wrdreg $0xFFFFFFFF;
	(pc) =	sbr.abs _section_cstart, $3  }
0xc1: {  	[dreg:$0x1] =	wrdreg $0xFFFFFFFF  }
0xc2: {  	_ =	task.clear_ibuf [dreg:s7], $0x2FFFF;
	_ =	strace $0x9FFFFFFF  }
0xc3: {  	(tm) =	ssettm $0x7FFFFFFF  }
tec
execute0_lowered:
.L_overlay_start_1:
0x0: {  	(tag) =	ssettag $0x1  }
0x1: {  	s1 =	rddreg [dreg:$0x0]  }
0x2: {  	s0 =	srdreg.scid;
	s2 =	rddreg [dreg:$0x1]  }
0x3: {  	s13 =	stileid.u32;
	s3 =	rddreg [dreg:$0x2]  }
0x4: {  	s16 =	simm.s32 $0x50;
	s17 =	simm.s32 $0x4E20;
	s18 =	simm.s32 $0x7620  }
0x5: {  	s20 =	simm.s32 $0x9E20;
	s21 =	simm.s32 $0x1;
	s22 =	simm.s32 $0x2  }
0x6: {  	s23 =	simm.s32 $0x3;
	s24 =	simm.s32 $0x4C90;
	s25 =	simm.s32 $0x2670  }
0x7: {  	s28 =	simm.s32 $0x26C0;
	s29 =	simm.s32 $0x4D30;
	s30 =	simm.s32 $0x4D80  }
0x8: {  	s31 =	simm.s32 $0x4DD0;
	s0 =	sand.u32 $0x1, s0;
	s9 =	smul.u32 $0x13800, s13  }
0x9: {  	s26 =	sshll.u32 s13, $0x6;
	s14 =	sadd.s32 $0x138000, s3;
	p0 =	sne.s32 s13, $0xF  }
0xa: {  	s4 =	sshll.u32 s0, $0x4;
	s6 =	ssub.s32 $0x2, s0;
	s0 =	smul.u32 $0x138800, s0  }
0xb: {  	s14 =	sshrl.u32 @!p0 s14, $0x3;
	s5 =	sor.u32 s13, s4;
	s4 =	simm.s32 $0x0  }
0xc: {  	s7 =	sshrl.u32 s6, $0x1;
	s12 =	sadd.s32 s9, s3;
	s13 =	simm.s32 $0x4  }
0xd: {  	s5 =	smul.u32 $0x2710, s5;
	[smem:$0x7FF] =	sst s4;
	s11 =	ssub.s32 s6, s7  }
0xe: {  	s6 =	sor.u32 $0x1C04, s26;
	s9 =	sadd.s32 s9, s0;
	s0 =	sshrl.u32 s0, $0x3  }
0xf: {  	s12 =	sshrl.u32 s12, $0x3;
	s26 =	simm.s32 $0x4CE0;
	_ =	strace $0x8000004A  }
0x10: {  	s9 =	sshrl.u32 s9, $0x3;
	s11 =	smax.u32 s11, $0x1;
	s5 =	sshrl.u32 s5, $0x3  }
0x11: {  	s8 =	sadd.s32 s5, s2;
	s5 =	sadd.s32 $0x16400, s2;
	s2 =	sadd.s32 $0x18C00, s2  }
0x12: {  	s7 =	sadd.s32 $0x2A00, s8;
	s8 =	sadd.s32 $0xC640, s8;
	s0 =	sadd.s32 s2, s0  }
0x13: {  	s9 =	sadd.s32 s2, s9;
	s2 =	simm.s32 $0x0;
	s10 =	sadd.s32 $0x27000, s0  }
.LBB2_1:
0x14: {  	[spmem:s12], [sflag:s6] =	dma.local [hbm:s5], $0x2700  }
0x15: {  	_ =	swait.ge [sflag:s13], $0x2700  }
0x16: {  	[sflag:s13] =	ssyncset.done $0x0  }
0x17: {  	s0 =	simm.s32 @!p0 $0x4;
	[sflag:s13] =	ssyncadd.s32 $0xFFFFD900  }
0x18: {  	[spmem:s14], [sflag:s6] =	dma.local @!p0 [hbm:s5], $0x100  }
0x19: {  	_ =	swait.ge @!p0 [sflag:s0], $0x100  }
0x1a: {  	[sflag:s0] =	ssyncset.done @!p0 $0x0  }
0x1b: {  	[sflag:s0] =	ssyncadd.s32 @!p0 $0xFFFFFF00  }
0x1c: {  	[tilespmem:s4], [sflag:$0x4] =	stream.linear.gather [hbm4b:s7+s4], $0x2710, $0x38;
	[tilespmem:$0x1FEA0] =	vst v63  }
0x1d: {  	_ =	swait.ge [sflag:s13], $0x2710  }
0x1e: {  	[sflag:s13] =	ssyncset.done $0x0  }
0x1f: {  	s19 =	simm.s32 $0x2710;
	[sflag:s13] =	ssyncadd.s32 $0xFFFFD8F0  }
0x20: {  	[tilespmem:s19], [sflag:$0x4] =	stream.linear.gather [hbm4b:s8+s4], $0x2710, $0x38;
	[tilespmem:$0x1FEA0] =	vst v63  }
0x21: {  	_ =	swait.ge [sflag:s13], $0x2710  }
0x22: {  	[sflag:s13] =	ssyncset.done $0x0  }
0x23: {  	[sflag:s13] =	ssyncadd.s32 $0xFFFFD8F0  }
0x24: {  	[bflag:$0x0] =	sbarrier.arrive $0xFFFF  }
0x25: {  	[tilespmem:s17], [sflag:$0x1] =	stream.indirect.gather [hbm4b:s1+s16], $0x80, s4, s16, $0xb8;
	[tilespmem:$0x1FEA0] =	vst v63  }
0x26: {  	_ = 	snop  }
0x27: {  	[tilespmem:s18], [sflag:$0x2] =	stream.indirect.gather [hbm4b:s1+s16], $0x80, s16, s16, $0xb8;
	[tilespmem:$0x1FEA0] =	vst v63  }
0x28: {  	s15 =	simm.s32 $0xA0  }
0x29: {  	[tilespmem:s20], [sflag:$0x3] =	stream.indirect.gather [hbm4b:s1+s16], $0x80, s15, s16, $0xb8;
	[tilespmem:$0x1FEA0] =	vst v63  }
0x2a: {  	_ =	swait.ge [sflag:s21], $0x2800  }
0x2b: {  	[sflag:s21] =	ssyncset.done $0x0  }
0x2c: {  	s19 =	simm.s32 $0x2710;
	[sflag:s21] =	ssyncadd.s32 $0xFFFFD800  }
0x2d: {  	[spmem:s3] =	stream.indirect.scatter.add.f32 [tilespmem:s17], [sflag:$0x4], $0x80, s19, s16, $0xb8;
	[tilespmem:$0x1FEA0] =	vst v63  }
0x2e: {  	_ =	swait.ge [sflag:s13], $0x2800  }
0x2f: {  	[sflag:s13] =	ssyncset.done $0x0  }
0x30: {  	s15 =	simm.s32 $0xF0;
	[sflag:s13] =	ssyncadd.s32 $0xFFFFD800  }
0x31: {  	[tilespmem:s17], [sflag:$0x1] =	stream.indirect.gather [hbm4b:s1+s16], $0x80, s15, s16, $0xb8;
	[tilespmem:$0x1FEA0] =	vst v63  }
0x32: {  	_ =	swait.ge [sflag:s22], $0x2800  }
0x33: {  	[sflag:s22] =	ssyncset.done $0x0  }
0x34: {  	s19 =	simm.s32 $0x2760;
	[sflag:s22] =	ssyncadd.s32 $0xFFFFD800  }
0x35: {  	[spmem:s3] =	stream.indirect.scatter.add.f32 [tilespmem:s18], [sflag:$0x4], $0x80, s19, s16, $0xb8;
	[tilespmem:$0x1FEA0] =	vst v63  }
0x36: {  	_ =	swait.ge [sflag:s13], $0x2800  }
0x37: {  	[sflag:s13] =	ssyncset.done $0x0  }
0x38: {  	s15 =	simm.s32 $0x140;
	[sflag:s13] =	ssyncadd.s32 $0xFFFFD800  }
0x39: {  	[tilespmem:s18], [sflag:$0x2] =	stream.indirect.gather [hbm4b:s1+s16], $0x80, s15, s16, $0xb8;
	[tilespmem:$0x1FEA0] =	vst v63  }
0x3a: {  	_ =	swait.ge [sflag:s23], $0x2800  }
0x3b: {  	[sflag:s23] =	ssyncset.done $0x0  }
0x3c: {  	s19 =	simm.s32 $0x27B0;
	[sflag:s23] =	ssyncadd.s32 $0xFFFFD800  }
0x3d: {  	[spmem:s3] =	stream.indirect.scatter.add.f32 [tilespmem:s20], [sflag:$0x4], $0x80, s19, s16, $0xb8;
	[tilespmem:$0x1FEA0] =	vst v63  }
0x3e: {  	_ =	swait.ge [sflag:s13], $0x2800  }
0x3f: {  	[sflag:s13] =	ssyncset.done $0x0  }
0x40: {  	s0 =	simm.s32 $0x3C0;
	s15 =	simm.s32 $0x190;
	[sflag:s13] =	ssyncadd.s32 $0xFFFFD800  }
.LBB2_2:
0x41: {  	[tilespmem:s20], [sflag:$0x3] =	stream.indirect.gather [hbm4b:s1+s16], $0x80, s15, s16, $0xb8;
	[tilespmem:$0x1FEA0] =	vst v63  }
0x42: {  	s15 =	smov.u32 s0  }
0x43: {  	p1 =	sne.s32 s0, $0x9240;
	s0 =	sadd.s32 $0x3C0, s0;
	_ =	swait.ge [sflag:s21], $0x2800  }
0x44: {  	s15 =	sshra.s32 s15, $0x2;
	[sflag:s21] =	ssyncset.done $0x0  }
0x45: {  	s19 =	sadd.s32 $0x2710, s15;
	[sflag:s21] =	ssyncadd.s32 $0xFFFFD800  }
0x46: {  	[spmem:s3] =	stream.indirect.scatter.add.f32 [tilespmem:s17], [sflag:$0x4], $0x80, s19, s16, $0xb8;
	[tilespmem:$0x1FEA0] =	vst v63  }
0x47: {  	_ =	swait.ge [sflag:s13], $0x2800  }
0x48: {  	[sflag:s13] =	ssyncset.done $0x0  }
0x49: {  	s19 =	sadd.s32 $0xF0, s15;
	[sflag:s13] =	ssyncadd.s32 $0xFFFFD800  }
0x4a: {  	[tilespmem:s17], [sflag:$0x1] =	stream.indirect.gather [hbm4b:s1+s16], $0x80, s19, s16, $0xb8;
	[tilespmem:$0x1FEA0] =	vst v63  }
0x4b: {  	_ =	swait.ge [sflag:s22], $0x2800  }
0x4c: {  	[sflag:s22] =	ssyncset.done $0x0  }
0x4d: {  	s19 =	sadd.s32 $0x2760, s15;
	[sflag:s22] =	ssyncadd.s32 $0xFFFFD800  }
0x4e: {  	[spmem:s3] =	stream.indirect.scatter.add.f32 [tilespmem:s18], [sflag:$0x4], $0x80, s19, s16, $0xb8;
	[tilespmem:$0x1FEA0] =	vst v63  }
0x4f: {  	_ =	swait.ge [sflag:s13], $0x2800  }
0x50: {  	[sflag:s13] =	ssyncset.done $0x0  }
0x51: {  	s19 =	sadd.s32 $0x140, s15;
	[sflag:s13] =	ssyncadd.s32 $0xFFFFD800  }
0x52: {  	[tilespmem:s18], [sflag:$0x2] =	stream.indirect.gather [hbm4b:s1+s16], $0x80, s19, s16, $0xb8;
	[tilespmem:$0x1FEA0] =	vst v63  }
0x53: {  	_ =	swait.ge [sflag:s23], $0x2800  }
0x54: {  	[sflag:s23] =	ssyncset.done $0x0  }
.Ltmp0:
0x55: {  	s19 =	sadd.s32 $0x27B0, s15;
	[sflag:s23] =	ssyncadd.s32 $0xFFFFD800;
	(pc) =	sbr.rel @p1 .LBB2_2-.Ltmp0, $4  }
0x56: {  	[spmem:s3] =	stream.indirect.scatter.add.f32 [tilespmem:s20], [sflag:$0x4], $0x80, s19, s16, $0xb8;
	[tilespmem:$0x1FEA0] =	vst v63  }
0x57: {  	_ =	swait.ge [sflag:s13], $0x2800  }
0x58: {  	[sflag:s13] =	ssyncset.done $0x0  }
0x59: {  	s15 =	sadd.s32 $0x190, s15;
	[sflag:s13] =	ssyncadd.s32 $0xFFFFD800  }
0x5a: {  	[tilespmem:s20], [sflag:$0x3] =	stream.indirect.gather [hbm4b:s1+s16], $0x80, s15, s16, $0xb8;
	[tilespmem:$0x1FEA0] =	vst v63  }
0x5b: {  	_ =	swait.ge [sflag:s21], $0x2800  }
0x5c: {  	[sflag:s21] =	ssyncset.done $0x0  }
0x5d: {  	[sflag:s21] =	ssyncadd.s32 $0xFFFFD800  }
0x5e: {  	[spmem:s3] =	stream.indirect.scatter.add.f32 [tilespmem:s17], [sflag:$0x4], $0x80, s24, s16, $0xb8;
	[tilespmem:$0x1FEA0] =	vst v63  }
0x5f: {  	_ =	swait.ge [sflag:s13], $0x2800  }
0x60: {  	[sflag:s13] =	ssyncset.done $0x0  }
0x61: {  	[sflag:s13] =	ssyncadd.s32 $0xFFFFD800  }
0x62: {  	[tilespmem:s17], [sflag:$0x1] =	stream.indirect.gather [hbm4b:s1+s16], $0x80, s25, s16, $0xb8;
	[tilespmem:$0x1FEA0] =	vst v63  }
0x63: {  	_ =	swait.ge [sflag:s22], $0x2800  }
0x64: {  	[sflag:s22] =	ssyncset.done $0x0  }
0x65: {  	[sflag:s22] =	ssyncadd.s32 $0xFFFFD800  }
0x66: {  	[spmem:s3] =	stream.indirect.scatter.add.f32 [tilespmem:s18], [sflag:$0x4], $0x80, s26, s16, $0xb8;
	[tilespmem:$0x1FEA0] =	vst v63  }
0x67: {  	_ =	swait.ge [sflag:s13], $0x2800  }
0x68: {  	[sflag:s13] =	ssyncset.done $0x0  }
0x69: {  	[sflag:s13] =	ssyncadd.s32 $0xFFFFD800  }
0x6a: {  	[tilespmem:s18], [sflag:$0x2] =	stream.indirect.gather [hbm4b:s1+s16], $0x80, s28, s16, $0xb8;
	[tilespmem:$0x1FEA0] =	vst v63  }
0x6b: {  	_ =	swait.ge [sflag:s23], $0x2800  }
0x6c: {  	[sflag:s23] =	ssyncset.done $0x0  }
0x6d: {  	[sflag:s23] =	ssyncadd.s32 $0xFFFFD800  }
0x6e: {  	[spmem:s3] =	stream.indirect.scatter.add.f32 [tilespmem:s20], [sflag:$0x4], $0x80, s29, s16, $0xb8;
	[tilespmem:$0x1FEA0] =	vst v63  }
0x6f: {  	_ =	swait.ge [sflag:s13], $0x2800  }
0x70: {  	[sflag:s13] =	ssyncset.done $0x0  }
0x71: {  	[sflag:s13] =	ssyncadd.s32 $0xFFFFD800  }
0x72: {  	_ =	swait.ge [sflag:s21], $0x2800  }
0x73: {  	[sflag:s21] =	ssyncset.done $0x0  }
0x74: {  	[sflag:s21] =	ssyncadd.s32 $0xFFFFD800  }
0x75: {  	[spmem:s3] =	stream.indirect.scatter.add.f32 [tilespmem:s17], [sflag:$0x4], $0x80, s30, s16, $0xb8;
	[tilespmem:$0x1FEA0] =	vst v63  }
0x76: {  	_ =	swait.ge [sflag:s13], $0x2800  }
0x77: {  	[sflag:s13] =	ssyncset.done $0x0  }
0x78: {  	[sflag:s13] =	ssyncadd.s32 $0xFFFFD800  }
0x79: {  	_ =	swait.ge [sflag:s22], $0x2800  }
0x7a: {  	[sflag:s22] =	ssyncset.done $0x0  }
0x7b: {  	[sflag:s22] =	ssyncadd.s32 $0xFFFFD800  }
0x7c: {  	[spmem:s3] =	stream.indirect.scatter.add.f32 [tilespmem:s18], [sflag:$0x4], $0x80, s31, s16, $0xb8;
	[tilespmem:$0x1FEA0] =	vst v63  }
0x7d: {  	_ =	swait.ge [sflag:s13], $0x2800  }
0x7e: {  	[sflag:s13] =	ssyncset.done $0x0  }
0x7f: {  	[sflag:s13] =	ssyncadd.s32 $0xFFFFD800  }
0x80: {  	[bflag:$0x0] =	sbarrier.arrive $0xFFFF  }
0x81: {  	[hbm:s9], [sflag:s6] =	dma.local [spmem:s12], $0x2700  }
0x82: {  	s2 =	sadd.s32 $0x1, s2;
	_ =	swait.ge [sflag:s13], $0x2700  }
0x83: {  	p1 =	sne.s32 s2, s11;
	[sflag:s13] =	ssyncset.done $0x0  }
.Ltmp1:
0x84: {  	s0 =	simm.s32 @!p0 $0x4;
	[sflag:s13] =	ssyncadd.s32 $0xFFFFD900;
	(pc) =	sbr.rel @p1 .LBB2_1-.Ltmp1, $4  }
0x85: {  	[hbm:s10], [sflag:s6] =	dma.local @!p0 [spmem:s14], $0x100  }
0x86: {  	_ =	swait.ge @!p0 [sflag:s0], $0x100  }
0x87: {  	[sflag:s0] =	ssyncset.done @!p0 $0x0  }
0x88: {  	[sflag:s0] =	ssyncadd.s32 @!p0 $0xFFFFFF00  }
0x89: {  	_ =	sfence.sel $0x180000  }
0x8a: {  	[bflag:$0x0] =	sbarrier.arrive $0xFFFF  }
0x8b: {  	_ =	strace $0x9000004A  }
0x8c: {  	s0 =	stileid.u32;
	[bflag:$0x2] =	sbarrier.arrive $0xFFFF  }
0x8d: {  	p0 =	sne.s32 s0, $0x0;
	s0 =	rddreg [dreg:$0x3]  }
0x8e: {  	s0 =	sadd.s32 @!p0 $0x100000, s0  }
0x8f: {  	[sflag:s0] =	ssyncadd.tile.s32 @!p0 $0x1;
	_ =	shalt  }
.Lfunc_end2:
_tile_overlayer_lowered:
.L_overlay_start_2:
0x90: {  	(tag) =	ssettag $0x2  }
0x91: {  	s0 =	rddreg [dreg:$0x0];
	s2 =	stileid.u32  }
0x92: {  	s1 =	rddreg [dreg:$0x1];
	p0 =	sne.s32 s2, $0x0  }
0x93: {  	s3 =	rddreg [dreg:$0x2];
	[bflag:$0x3] =	sbarrier.arrive $0xFFFF;
	s2 =	simm.s32 @!p0 $0x1C04  }
0x94: {  	[timem:s3], [sflag:s2] =	dma.local @!p0 [hbm:s0], s1  }
0x95: {  	s0 =	simm.s32 @!p0 $0x4  }
0x96: {  	_ =	swait.ge @!p0 [sflag:s0], s1  }
0x97: {  	s1 =	ssub.s32 @!p0 $0x0, s1;
	[sflag:s0] =	ssyncset.done @!p0 $0x0  }
0x98: {  	[sflag:s0] =	ssyncadd.s32 @!p0 s1  }
0x99: {  	[bflag:$0x3] =	sbarrier.arrive $0xFFFF  }
0x9a: {  	_ =	shalt  }

// kernel: kernel.14.cloned.1.call-start
scs
__scs_entry_jumppad:
0x0: {  	(pc) =	sbr.rel $0x88, $3  }
0x1: {  	(tag) =	ssettag $0x0;
	lr =	simm.s32 $0x1  }
0x2: {  	[smem:$0x3F97] =	sst lr;
	_ =	strace $0xD0000000  }
0x3: {  	_ = 	snop  }
0x4: {  	_ = 	snop  }
0x5: {  	_ = 	snop  }
0x6: {  	_ = 	snop  }
0x7: {  	_ = 	snop  }
__scs_overlays_trampoline_lowered:
0x8: {  	[smem:$0x3FA6] =	sst s0  }
0x9: {  	[smem:$0x3FA7] =	sst s1  }
0xa: {  	[smem:$0x3FA8] =	sst s2  }
0xb: {  	[smem:$0x3FA9] =	sst s3  }
0xc: {  	[smem:$0x3FAA] =	sst s4  }
0xd: {  	[smem:$0x3FAB] =	sst s5  }
0xe: {  	[smem:$0x3FAC] =	sst s6  }
0xf: {  	[smem:$0x3FAD] =	sst s7  }
0x10: {  	[smem:$0x3FAE] =	sst s8  }
0x11: {  	[smem:$0x3FAF] =	sst s9;
	s0 =	simm.s32 @!p0 $0x0  }
0x12: {  	s1 =	sld [smem:$0x3F95];
	s0 =	simm.s32 @p0 $0x1  }
0x13: {  	[smem:$0x3FB0] =	sst s0;
	s0 =	simm.s32 @!p1 $0x0  }
0x14: {  	s2 =	sld [smem:$0x3F94];
	s0 =	simm.s32 @p1 $0x1  }
0x15: {  	[smem:$0x3FB1] =	sst s0;
	s0 =	simm.s32 @!p2 $0x0  }
0x16: {  	s3 =	sld [smem:$0x3FDB];
	s0 =	simm.s32 @p2 $0x1  }
0x17: {  	s4 =	simm.s32 $0x1BF5;
	[smem:$0x3FB3] =	sst s0  }
0x18: {  	s0 =	sld [smem:$0x3F96];
	_ =	swait.ge [sflag:s4], $0x0  }
0x19: {  	s7 =	sld [smem:$0x3F97]  }
0x1a: {  	s8 =	sadd.s32 $0xFFFFE003, lr  }
0x1b: {  	s9 =	sadd.s32 $0xFFFFFEF7, lr;
	s5 =	simm.s32 $0xFFFFFFFF;
	p2 =	slt.u32 s8, $0xFFFFF086  }
0x1c: {  	p1 =	slt.u32 s9, $0xF7A;
	s5 =	simm.s32 @!p2 $0x0  }
0x1d: {  	s5 =	simm.s32 @p1 $0x1;
	p0 =	seq.s32 s7, s2  }
0x1e: {  	s7 =	smul.u32 @!p0 $0xF7A, s2;
	p2 =	seq.s32 @!p0 s5, $0x0  }
0x1f: {  	s9 =	smul.u32 $0xF7A, s1;
	s8 =	simm.s32 @!p0 $0x1BF5;
	p2 =	por !p2, p0  }
0x20: {  	[sflag:s8] =	ssyncset.s32 @!p0 $0xFFFFF086;
	s6 =	sadd.s32 @!p0 s3, s7;
	s7 =	simm.s32 @!p0 $0x108  }
0x21: {  	s3 =	sadd.s32 s3, s9;
	s6 =	sadd.s32 @!p0 $0x88, s6;
	s7 =	simm.s32 @p2 $0x1082  }
0x22: {  	[simem:s7], [sflag:s8] =	dma.local @!p0 [hbm:s6], $0xF7A  }
0x23: {  	s9 =	sor.u32 $0xD0000000, s2;
	s6 =	simm.s32 $0x108;
	_ =	swait.ge @!p0 [sflag:s8], $0x0  }
0x24: {  	s3 =	sadd.s32 $0x88, s3;
	s6 =	simm.s32 @!p1 $0x1082;
	[sflag:s4] =	ssyncset.s32 $0xFFFFF086  }
0x25: {  	[simem:s6], [sflag:s4] =	dma.local [hbm:s3], $0xF7A  }
0x26: {  	[smem:$0x3F97] =	sst s1;
	(tag) =	ssettag s2;
	_ =	strace s9  }
0x27: {  	s1 =	sld [smem:$0x3FA7]  }
0x28: {  	s2 =	sld [smem:$0x3FA8]  }
0x29: {  	s4 =	sld [smem:$0x3FAA]  }
0x2a: {  	p0 =	seq.s32 s5, $0x0;
	s5 =	sld [smem:$0x3FAB]  }
0x2b: {  	s6 =	sld [smem:$0x3FAC]  }
0x2c: {  	s7 =	sld [smem:$0x3FAD]  }
0x2d: {  	s3 =	simm.s32 $0x108;
	s8 =	sld [smem:$0x3FAE]  }
0x2e: {  	s3 =	simm.s32 @!p0 $0x1082;
	s9 =	sld [smem:$0x3FAF]  }
0x2f: {  	lr =	sadd.s32 s0, s3;
	s0 =	sld [smem:$0x3FA6]  }
0x30: {  	s3 =	sld [smem:$0x3FA9]  }
0x31: {  	[smem:$0x3FB2] =	sst s10  }
0x32: {  	s10 =	sld [smem:$0x3FB0];
	_ =	sdelay $0x3  }
0x33: {  	p0 =	seq.s32 s10, $0x1;
	s10 =	sld [smem:$0x3FB2];
	_ =	sdelay $0x3  }
0x34: {  	[smem:$0x3FB2] =	sst s10  }
0x35: {  	s10 =	sld [smem:$0x3FB1];
	_ =	sdelay $0x3  }
0x36: {  	p1 =	seq.s32 s10, $0x1;
	s10 =	sld [smem:$0x3FB2];
	_ =	sdelay $0x3  }
0x37: {  	[smem:$0x3FB2] =	sst s10  }
0x38: {  	s10 =	sld [smem:$0x3FB3]  }
0x39: {  	_ = 	snop;
	(pc) =	sbr.ind lr, $3  }
0x3a: {  	_ = 	snop  }
0x3b: {  	_ = 	snop  }
0x3c: {  	p2 =	seq.s32 s10, $0x1;
	s10 =	sld [smem:$0x3FB2]  }
0x3d: {  	_ =	shalt  }
0x3e: {  	_ =	shalt  }
0x3f: {  	_ =	shalt  }
0x40: {  	_ =	shalt  }
0x41: {  	_ =	shalt  }
0x42: {  	_ =	shalt  }
0x43: {  	_ =	shalt  }
0x44: {  	_ =	shalt  }
0x45: {  	_ =	shalt  }
0x46: {  	_ =	shalt  }
0x47: {  	_ =	shalt  }
0x48: {  	_ =	shalt  }
0x49: {  	_ =	shalt  }
0x4a: {  	_ =	shalt  }
0x4b: {  	_ =	shalt  }
0x4c: {  	_ =	shalt  }
0x4d: {  	_ =	shalt  }
0x4e: {  	_ =	shalt  }
0x4f: {  	_ =	shalt  }
0x50: {  	_ =	shalt  }
0x51: {  	_ =	shalt  }
0x52: {  	_ =	shalt  }
0x53: {  	_ =	shalt  }
0x54: {  	_ =	shalt  }
0x55: {  	_ =	shalt  }
0x56: {  	_ =	shalt  }
0x57: {  	_ =	shalt  }
0x58: {  	_ =	shalt  }
0x59: {  	_ =	shalt  }
0x5a: {  	_ =	shalt  }
0x5b: {  	_ =	shalt  }
0x5c: {  	_ =	shalt  }
0x5d: {  	_ =	shalt  }
0x5e: {  	_ =	shalt  }
0x5f: {  	_ =	shalt  }
0x60: {  	_ =	shalt  }
0x61: {  	_ =	shalt  }
0x62: {  	_ =	shalt  }
0x63: {  	_ =	shalt  }
0x64: {  	_ =	shalt  }
0x65: {  	_ =	shalt  }
0x66: {  	_ =	shalt  }
0x67: {  	_ =	shalt  }
0x68: {  	_ =	shalt  }
0x69: {  	_ =	shalt  }
0x6a: {  	_ =	shalt  }
0x6b: {  	_ =	shalt  }
0x6c: {  	_ =	shalt  }
0x6d: {  	_ =	shalt  }
0x6e: {  	_ =	shalt  }
0x6f: {  	_ =	shalt  }
0x70: {  	_ =	shalt  }
0x71: {  	_ =	shalt  }
0x72: {  	_ =	shalt  }
0x73: {  	_ =	shalt  }
0x74: {  	_ =	shalt  }
0x75: {  	_ =	shalt  }
0x76: {  	_ =	shalt  }
0x77: {  	_ =	shalt  }
0x78: {  	_ =	shalt  }
0x79: {  	_ =	shalt  }
0x7a: {  	_ =	shalt  }
0x7b: {  	_ =	shalt  }
0x7c: {  	_ =	shalt  }
0x7d: {  	_ =	shalt  }
0x7e: {  	_ =	shalt  }
0x7f: {  	_ =	shalt  }
0x80: {  	_ =	shalt  }
0x81: {  	_ =	shalt  }
0x82: {  	_ =	shalt  }
0x83: {  	_ =	shalt  }
0x84: {  	_ =	shalt  }
0x85: {  	_ =	shalt  }
0x86: {  	_ =	shalt  }
0x87: {  	_ =	shalt  }
.Lfunc_end0:
.L_simem_size_0:
called_computation.2_lowered:
.L_overlay_start_0:
0x88: {  	s2 =	sld [smem:$0x3FD9]  }
0x89: {  	s3 =	sld [smem:$0x3FFE];
	_ =	sdelay $0x1  }
0x8a: {  	s1 =	srdreg.scid  }
0x8b: {  	s0 =	sand.u32 $0x1, s1  }
0x8c: {  	s17 =	sshll.u32 s0, $0xA;
	s2 =	sadd.s32 s3, s2  }
0x8d: {  	s2 =	sadd.s32 s2, s17  }
0x8e: {  	[smem:$0x3FBE] =	sst s2  }
0x8f: {  	_ = 	snop  }
0x90: {  	s2 =	sld [smem:$0x3FD0];
	(tm) =	ssettm $0x1  }
0x91: {  	s18 =	sld [smem:$0x3FFB];
	_ =	sdelay $0x3  }
0x92: {  	_ =	strace s18  }
0x93: {  	s3 =	sld [smem:$0x3FFC];
	_ =	sdelay $0x3  }
0x94: {  	_ =	strace s3  }
0x95: {  	s3 =	sld [smem:$0x3FFD];
	_ =	sdelay $0x3  }
0x96: {  	_ =	strace s3  }
0x97: {  	_ =	strace $0x8FFFFFFF  }
0x98: {  	s19 =	sld [smem:$0x3FDB];
	_ =	sdelay $0x1  }
0x99: {  	s4 =	simm.s32 $_scs_section_size  }
0x9a: {  	s5 =	simm.s32 $_size__tile_overlayer_lowered;
	s6 =	simm.s32 $_tile_overlayer_lowered  }
0x9b: {  	s22 =	simm.s32 $0x1BFF;
	s21 =	sshll.u32 s6, $0x1;
	s3 =	sadd.s32 s4, s19  }
0x9c: {  	s7 =	simm.s32 $0x0;
	s20 =	sshll.u32 s5, $0x1;
	s5 =	sadd.s32 s21, s3  }
0x9d: {  	[timem:s7], [sflag:s22] =	dma.local [hbm:s5], s20  }
0x9e: {  	_ =	swait.ge [sflag:s22], s20  }
0x9f: {  	s4 =	ssub.s32 $0x0, s20;
	[sflag:s22] =	ssyncset.done $0x0  }
0xa0: {  	[sflag:s22] =	ssyncadd.s32 s4;
	_ =	sdelay $0x1  }
0xa1: {  	s23 =	simm.s32 $0x1B8B  }
0xa2: {  	_ =	swait.ge [sflag:s23], $0x1  }
0xa3: {  	[sflag:s23] =	ssyncset.done $0x0  }
0xa4: {  	s25 =	simm.s32 $0x1B8E;
	s24 =	sld [smem:$0x3FFE];
	[sflag:s23] =	ssyncadd.s32 $0xFFFFFFFF  }
0xa5: {  	s26 =	simm.s32 $execute0_lowered;
	[smem:$0x3FD2] =	sst s25  }
0xa6: {  	s5 =	sshll.u32 s26, $0x1;
	_ =	strace $0x8000004C;
	[dreg:$0x1] =	wrdreg $0xFFFFFFFF  }
0xa7: {  	s28 =	simm.s32 $_size_execute0_lowered;
	s3 =	sadd.s32 s3, s5;
	[dreg:$0x0] =	wrdreg $0x0  }
0xa8: {  	s5 =	sshll.u32 s28, $0x1;
	[dreg:$0x2] =	wrdreg s3  }
0xa9: {  	[dreg:$0x3] =	wrdreg s5  }
0xaa: {  	[dreg:$0x4] =	wrdreg $0xC0  }
0xab: {  	_ =	task [dreg:s7], $0x5FFFF  }
0xac: {  	[dreg:$0x1] =	wrdreg $0xFFFFFFFF  }
0xad: {  	[dreg:$0x0] =	wrdreg $0x60  }
0xae: {  	[dreg:$0x2] =	wrdreg s24  }
0xaf: {  	[dreg:$0x3] =	wrdreg s2  }
0xb0: {  	[dreg:$0x4] =	wrdreg $0xB2200  }
0xb1: {  	[dreg:$0x5] =	wrdreg $0x9  }
0xb2: {  	_ =	task.clear_ibuf [dreg:s7], $0x6FFFF;
	_ =	strace $0x9000004C  }
0xb3: {  	s29 =	simm.s32 $0x9;
	_ =	strace $0x8000004E  }
0xb4: {  	_ =	swait.ge [sflag:s29], $0x1  }
0xb5: {  	[sflag:s29] =	ssyncadd.s32 $0xFFFFFFFF  }
0xb6: {  	_ =	strace $0x9000004E  }
0xb7: {  	_ =	sfence  }
0xb8: {  	s30 =	sld [smem:$0x0];
	_ =	sdelay $0x2  }
0xb9: {  	s31 =	sshll.u32 s1, $0xD;
	s1 =	sshrl.u32 s1, $0x2  }
0xba: {  	s3 =	sand.u32 $0x4000, s31;
	s1 =	sadd.s32 s1, s30  }
0xbb: {  	s0 =	sor.u32 s3, s0;
	s1 =	sshll.u32 s1, $0x11  }
0xbc: {  	s0 =	sor.u32 s1, s0  }
0xbd: {  	s0 =	sadd.s32 $0x8F2B, s0  }
0xbe: {  	[sflag:s0] =	ssyncadd.remote.s32 $0x1  }
0xbf: {  	_ =	sfence.sel $0xFFFF  }
0xc0: {  	[dreg:$0x0] =	wrdreg $0xFFFFFFFF;
	(pc) =	sbr.abs _section_cstart, $3  }
0xc1: {  	[dreg:$0x1] =	wrdreg $0xFFFFFFFF  }
0xc2: {  	_ =	task.clear_ibuf [dreg:s7], $0x2FFFF;
	_ =	strace $0x9FFFFFFF  }
0xc3: {  	(tm) =	ssettm $0x7FFFFFFF  }
tec
execute0_lowered:
.L_overlay_start_1:
0x0: {  	(tag) =	ssettag $0x1  }
0x1: {  	s1 =	rddreg [dreg:$0x0]  }
0x2: {  	s0 =	srdreg.scid;
	s10 =	rddreg [dreg:$0x1]  }
0x3: {  	s13 =	stileid.u32;
	s2 =	rddreg [dreg:$0x2]  }
0x4: {  	s16 =	simm.s32 $0x50;
	s17 =	simm.s32 $0x4E20;
	s18 =	simm.s32 $0x6220  }
0x5: {  	s20 =	simm.s32 $0x7620;
	s22 =	simm.s32 $0x8A20;
	s24 =	simm.s32 $0x9E20  }
0x6: {  	s25 =	simm.s32 $0x1;
	s28 =	simm.s32 $0x3;
	s29 =	simm.s32 $0x4  }
0x7: {  	s30 =	simm.s32 $0x5;
	s15 =	simm.s32 $0x4D80;
	s19 =	simm.s32 $0x4DD0  }
0x8: {  	s21 =	simm.s32 $0x0;
	s0 =	sand.u32 $0x1, s0;
	s7 =	smul.u32 $0x9C00, s13  }
0x9: {  	s31 =	sshll.u32 s13, $0x6;
	s14 =	sadd.s32 $0x9C000, s2;
	p0 =	sne.s32 s13, $0xF  }
0xa: {  	s3 =	sshll.u32 s0, $0x4;
	s6 =	ssub.s32 $0x2, s0;
	s0 =	smul.u32 $0x9C400, s0  }
0xb: {  	s14 =	sshrl.u32 @!p0 s14, $0x3;
	s4 =	sor.u32 s13, s3;
	s3 =	simm.s32 $0x0  }
0xc: {  	s26 =	sshrl.u32 s6, $0x1;
	s12 =	sadd.s32 s7, s2;
	s13 =	simm.s32 $0x6  }
0xd: {  	s5 =	smul.u32 $0x2710, s4;
	[smem:$0x7FF] =	sst s3;
	s4 =	sadd.s32 $0x16400, s1  }
0xe: {  	s9 =	sadd.s32 s7, s0;
	s0 =	sshrl.u32 s0, $0x3;
	s12 =	sshrl.u32 s12, $0x3  }
0xf: {  	_ =	strace $0x8000004D;
	s9 =	sshrl.u32 s9, $0x3;
	s0 =	sadd.s32 s10, s0  }
0x10: {  	s5 =	sshrl.u32 s5, $0x3;
	s9 =	sadd.s32 s10, s9;
	s10 =	sadd.s32 $0x13800, s0  }
0x11: {  	s0 =	simm.s32 $0x4D30;
	s8 =	sadd.s32 s5, s1;
	s5 =	sadd.s32 $0x29E00, s1  }
0x12: {  	s1 =	ssub.s32 s6, s26;
	s6 =	sor.u32 $0x1C06, s31;
	s26 =	simm.s32 $0x2  }
0x13: {  	s7 =	sadd.s32 $0x2A00, s8;
	s8 =	sadd.s32 $0xC640, s8;
	s11 =	smax.u32 s1, $0x1  }
.LBB2_1:
0x14: {  	[spmem:s12], [sflag:s6] =	dma.local [hbm:s5], $0x1380  }
0x15: {  	_ =	swait.ge [sflag:s13], $0x1380  }
0x16: {  	[sflag:s13] =	ssyncset.done $0x0  }
0x17: {  	s23 =	simm.s32 @!p0 $0x6;
	[sflag:s13] =	ssyncadd.s32 $0xFFFFEC80  }
0x18: {  	[spmem:s14], [sflag:s6] =	dma.local @!p0 [hbm:s5], $0x80  }
0x19: {  	_ =	swait.ge @!p0 [sflag:s23], $0x80  }
0x1a: {  	[sflag:s23] =	ssyncset.done @!p0 $0x0  }
0x1b: {  	[sflag:s23] =	ssyncadd.s32 @!p0 $0xFFFFFF80  }
0x1c: {  	[tilespmem:s3], [sflag:$0x6] =	stream.linear.gather [hbm4b:s7+s3], $0x2710, $0x38;
	[tilespmem:$0x14E60] =	vst v63  }
0x1d: {  	_ =	swait.ge [sflag:s13], $0x2710  }
0x1e: {  	[sflag:s13] =	ssyncset.done $0x0  }
0x1f: {  	s1 =	simm.s32 $0x2710;
	[sflag:s13] =	ssyncadd.s32 $0xFFFFD8F0  }
0x20: {  	[tilespmem:s1], [sflag:$0x6] =	stream.linear.gather [hbm4b:s8+s3], $0x2710, $0x38;
	[tilespmem:$0x14E60] =	vst v63  }
0x21: {  	_ =	swait.ge [sflag:s13], $0x2710  }
0x22: {  	[sflag:s13] =	ssyncset.done $0x0  }
0x23: {  	[sflag:s13] =	ssyncadd.s32 $0xFFFFD8F0  }
0x24: {  	[bflag:$0x0] =	sbarrier.arrive $0xFFFF  }
0x25: {  	[tilespmem:s17], [sflag:$0x1] =	stream.indirect.gather [hbm4b:s4+s16], $0x40, s3, s16, $0xb8;
	[tilespmem:$0x14E60] =	vst v63  }
0x26: {  	_ = 	snop  }
0x27: {  	[tilespmem:s18], [sflag:$0x2] =	stream.indirect.gather [hbm4b:s4+s16], $0x40, s16, s16, $0xb8;
	[tilespmem:$0x14E60] =	vst v63  }
0x28: {  	s23 =	simm.s32 $0xA0  }
0x29: {  	[tilespmem:s20], [sflag:$0x3] =	stream.indirect.gather [hbm4b:s4+s16], $0x40, s23, s16, $0xb8;
	[tilespmem:$0x14E60] =	vst v63  }
0x2a: {  	s23 =	simm.s32 $0xF0  }
0x2b: {  	[tilespmem:s22], [sflag:$0x4] =	stream.indirect.gather [hbm4b:s4+s16], $0x40, s23, s16, $0xb8;
	[tilespmem:$0x14E60] =	vst v63  }
0x2c: {  	s23 =	simm.s32 $0x140  }
0x2d: {  	[tilespmem:s24], [sflag:$0x5] =	stream.indirect.gather [hbm4b:s4+s16], $0x40, s23, s16, $0xb8;
	[tilespmem:$0x14E60] =	vst v63  }
0x2e: {  	_ =	swait.ge [sflag:s25], $0x1400  }
0x2f: {  	[sflag:s25] =	ssyncset.done $0x0  }
0x30: {  	s1 =	simm.s32 $0x2710;
	[sflag:s25] =	ssyncadd.s32 $0xFFFFEC00  }
0x31: {  	[spmem:s2] =	stream.indirect.scatter.add.f32 [tilespmem:s17], [sflag:$0x6], $0x40, s1, s16, $0xb8;
	[tilespmem:$0x14E60] =	vst v63  }
0x32: {  	_ =	swait.ge [sflag:s13], $0x1400  }
0x33: {  	[sflag:s13] =	ssyncset.done $0x0  }
0x34: {  	s1 =	simm.s32 $0x190;
	[sflag:s13] =	ssyncadd.s32 $0xFFFFEC00  }
0x35: {  	[tilespmem:s17], [sflag:$0x1] =	stream.indirect.gather [hbm4b:s4+s16], $0x40, s1, s16, $0xb8;
	[tilespmem:$0x14E60] =	vst v63  }
0x36: {  	_ =	swait.ge [sflag:s26], $0x1400  }
0x37: {  	[sflag:s26] =	ssyncset.done $0x0  }
0x38: {  	s1 =	simm.s32 $0x2760;
	[sflag:s26] =	ssyncadd.s32 $0xFFFFEC00  }
0x39: {  	[spmem:s2] =	stream.indirect.scatter.add.f32 [tilespmem:s18], [sflag:$0x6], $0x40, s1, s16, $0xb8;
	[tilespmem:$0x14E60] =	vst v63  }
0x3a: {  	_ =	swait.ge [sflag:s13], $0x1400  }
0x3b: {  	[sflag:s13] =	ssyncset.done $0x0  }
0x3c: {  	s1 =	simm.s32 $0x1E0;
	[sflag:s13] =	ssyncadd.s32 $0xFFFFEC00  }
0x3d: {  	[tilespmem:s18], [sflag:$0x2] =	stream.indirect.gather [hbm4b:s4+s16], $0x40, s1, s16, $0xb8;
	[tilespmem:$0x14E60] =	vst v63  }
0x3e: {  	_ =	swait.ge [sflag:s28], $0x1400  }
0x3f: {  	[sflag:s28] =	ssyncset.done $0x0  }
0x40: {  	s1 =	simm.s32 $0x27B0;
	[sflag:s28] =	ssyncadd.s32 $0xFFFFEC00  }
0x41: {  	[spmem:s2] =	stream.indirect.scatter.add.f32 [tilespmem:s20], [sflag:$0x6], $0x40, s1, s16, $0xb8;
	[tilespmem:$0x14E60] =	vst v63  }
0x42: {  	_ =	swait.ge [sflag:s13], $0x1400  }
0x43: {  	[sflag:s13] =	ssyncset.done $0x0  }
0x44: {  	s1 =	simm.s32 $0x230;
	[sflag:s13] =	ssyncadd.s32 $0xFFFFEC00  }
0x45: {  	[tilespmem:s20], [sflag:$0x3] =	stream.indirect.gather [hbm4b:s4+s16], $0x40, s1, s16, $0xb8;
	[tilespmem:$0x14E60] =	vst v63  }
0x46: {  	_ =	swait.ge [sflag:s29], $0x1400  }
0x47: {  	[sflag:s29] =	ssyncset.done $0x0  }
0x48: {  	s1 =	simm.s32 $0x2800;
	[sflag:s29] =	ssyncadd.s32 $0xFFFFEC00  }
0x49: {  	[spmem:s2] =	stream.indirect.scatter.add.f32 [tilespmem:s22], [sflag:$0x6], $0x40, s1, s16, $0xb8;
	[tilespmem:$0x14E60] =	vst v63  }
0x4a: {  	_ =	swait.ge [sflag:s13], $0x1400  }
0x4b: {  	[sflag:s13] =	ssyncset.done $0x0  }
0x4c: {  	s1 =	simm.s32 $0x280;
	[sflag:s13] =	ssyncadd.s32 $0xFFFFEC00  }
0x4d: {  	[tilespmem:s22], [sflag:$0x4] =	stream.indirect.gather [hbm4b:s4+s16], $0x40, s1, s16, $0xb8;
	[tilespmem:$0x14E60] =	vst v63  }
0x4e: {  	_ =	swait.ge [sflag:s30], $0x1400  }
0x4f: {  	[sflag:s30] =	ssyncset.done $0x0  }
0x50: {  	s1 =	simm.s32 $0x2850;
	[sflag:s30] =	ssyncadd.s32 $0xFFFFEC00  }
0x51: {  	[spmem:s2] =	stream.indirect.scatter.add.f32 [tilespmem:s24], [sflag:$0x6], $0x40, s1, s16, $0xb8;
	[tilespmem:$0x14E60] =	vst v63  }
0x52: {  	_ =	swait.ge [sflag:s13], $0x1400  }
0x53: {  	[sflag:s13] =	ssyncset.done $0x0  }
0x54: {  	s31 =	simm.s32 $0x2D0;
	s23 =	simm.s32 $0x640;
	[sflag:s13] =	ssyncadd.s32 $0xFFFFEC00  }
.LBB2_2:
0x55: {  	[tilespmem:s24], [sflag:$0x5] =	stream.indirect.gather [hbm4b:s4+s16], $0x40, s31, s16, $0xb8;
	[tilespmem:$0x14E60] =	vst v63  }
0x56: {  	s31 =	smov.u32 s23  }
0x57: {  	p1 =	sne.s32 s23, $0x8FC0;
	s23 =	sadd.s32 $0x640, s23;
	_ =	swait.ge [sflag:s25], $0x1400  }
0x58: {  	s31 =	sshra.s32 s31, $0x2;
	[sflag:s25] =	ssyncset.done $0x0  }
0x59: {  	s1 =	sadd.s32 $0x2710, s31;
	[sflag:s25] =	ssyncadd.s32 $0xFFFFEC00  }
0x5a: {  	[spmem:s2] =	stream.indirect.scatter.add.f32 [tilespmem:s17], [sflag:$0x6], $0x40, s1, s16, $0xb8;
	[tilespmem:$0x14E60] =	vst v63  }
0x5b: {  	_ =	swait.ge [sflag:s13], $0x1400  }
0x5c: {  	[sflag:s13] =	ssyncset.done $0x0  }
0x5d: {  	s1 =	sadd.s32 $0x190, s31;
	[sflag:s13] =	ssyncadd.s32 $0xFFFFEC00  }
0x5e: {  	[tilespmem:s17], [sflag:$0x1] =	stream.indirect.gather [hbm4b:s4+s16], $0x40, s1, s16, $0xb8;
	[tilespmem:$0x14E60] =	vst v63  }
0x5f: {  	_ =	swait.ge [sflag:s26], $0x1400  }
0x60: {  	[sflag:s26] =	ssyncset.done $0x0  }
0x61: {  	s1 =	sadd.s32 $0x2760, s31;
	[sflag:s26] =	ssyncadd.s32 $0xFFFFEC00  }
0x62: {  	[spmem:s2] =	stream.indirect.scatter.add.f32 [tilespmem:s18], [sflag:$0x6], $0x40, s1, s16, $0xb8;
	[tilespmem:$0x14E60] =	vst v63  }
0x63: {  	_ =	swait.ge [sflag:s13], $0x1400  }
0x64: {  	[sflag:s13] =	ssyncset.done $0x0  }
0x65: {  	s1 =	sadd.s32 $0x1E0, s31;
	[sflag:s13] =	ssyncadd.s32 $0xFFFFEC00  }
0x66: {  	[tilespmem:s18], [sflag:$0x2] =	stream.indirect.gather [hbm4b:s4+s16], $0x40, s1, s16, $0xb8;
	[tilespmem:$0x14E60] =	vst v63  }
0x67: {  	_ =	swait.ge [sflag:s28], $0x1400  }
0x68: {  	[sflag:s28] =	ssyncset.done $0x0  }
0x69: {  	s1 =	sadd.s32 $0x27B0, s31;
	[sflag:s28] =	ssyncadd.s32 $0xFFFFEC00  }
0x6a: {  	[spmem:s2] =	stream.indirect.scatter.add.f32 [tilespmem:s20], [sflag:$0x6], $0x40, s1, s16, $0xb8;
	[tilespmem:$0x14E60] =	vst v63  }
0x6b: {  	_ =	swait.ge [sflag:s13], $0x1400  }
0x6c: {  	[sflag:s13] =	ssyncset.done $0x0  }
0x6d: {  	s1 =	sadd.s32 $0x230, s31;
	[sflag:s13] =	ssyncadd.s32 $0xFFFFEC00  }
0x6e: {  	[tilespmem:s20], [sflag:$0x3] =	stream.indirect.gather [hbm4b:s4+s16], $0x40, s1, s16, $0xb8;
	[tilespmem:$0x14E60] =	vst v63  }
0x6f: {  	_ =	swait.ge [sflag:s29], $0x1400  }
0x70: {  	[sflag:s29] =	ssyncset.done $0x0  }
0x71: {  	s1 =	sadd.s32 $0x2800, s31;
	[sflag:s29] =	ssyncadd.s32 $0xFFFFEC00  }
0x72: {  	[spmem:s2] =	stream.indirect.scatter.add.f32 [tilespmem:s22], [sflag:$0x6], $0x40, s1, s16, $0xb8;
	[tilespmem:$0x14E60] =	vst v63  }
0x73: {  	_ =	swait.ge [sflag:s13], $0x1400  }
0x74: {  	[sflag:s13] =	ssyncset.done $0x0  }
0x75: {  	s1 =	sadd.s32 $0x280, s31;
	[sflag:s13] =	ssyncadd.s32 $0xFFFFEC00  }
0x76: {  	[tilespmem:s22], [sflag:$0x4] =	stream.indirect.gather [hbm4b:s4+s16], $0x40, s1, s16, $0xb8;
	[tilespmem:$0x14E60] =	vst v63  }
0x77: {  	_ =	swait.ge [sflag:s30], $0x1400  }
0x78: {  	[sflag:s30] =	ssyncset.done $0x0  }
.Ltmp0:
0x79: {  	s1 =	sadd.s32 $0x2850, s31;
	[sflag:s30] =	ssyncadd.s32 $0xFFFFEC00;
	(pc) =	sbr.rel @p1 .LBB2_2-.Ltmp0, $4  }
0x7a: {  	[spmem:s2] =	stream.indirect.scatter.add.f32 [tilespmem:s24], [sflag:$0x6], $0x40, s1, s16, $0xb8;
	[tilespmem:$0x14E60] =	vst v63  }
0x7b: {  	_ =	swait.ge [sflag:s13], $0x1400  }
0x7c: {  	[sflag:s13] =	ssyncset.done $0x0  }
0x7d: {  	s31 =	sadd.s32 $0x2D0, s31;
	[sflag:s13] =	ssyncadd.s32 $0xFFFFEC00  }
0x7e: {  	[tilespmem:s24], [sflag:$0x5] =	stream.indirect.gather [hbm4b:s4+s16], $0x40, s31, s16, $0xb8;
	[tilespmem:$0x14E60] =	vst v63  }
0x7f: {  	_ =	swait.ge [sflag:s25], $0x1400  }
0x80: {  	[sflag:s25] =	ssyncset.done $0x0  }
0x81: {  	s1 =	simm.s32 $0x4C90;
	[sflag:s25] =	ssyncadd.s32 $0xFFFFEC00  }
0x82: {  	[spmem:s2] =	stream.indirect.scatter.add.f32 [tilespmem:s17], [sflag:$0x6], $0x40, s1, s16, $0xb8;
	[tilespmem:$0x14E60] =	vst v63  }
0x83: {  	_ =	swait.ge [sflag:s13], $0x1400  }
0x84: {  	[sflag:s13] =	ssyncset.done $0x0  }
0x85: {  	[sflag:s13] =	ssyncadd.s32 $0xFFFFEC00  }
0x86: {  	_ =	swait.ge [sflag:s26], $0x1400  }
0x87: {  	[sflag:s26] =	ssyncset.done $0x0  }
0x88: {  	s31 =	simm.s32 $0x4CE0;
	[sflag:s26] =	ssyncadd.s32 $0xFFFFEC00  }
0x89: {  	[spmem:s2] =	stream.indirect.scatter.add.f32 [tilespmem:s18], [sflag:$0x6], $0x40, s31, s16, $0xb8;
	[tilespmem:$0x14E60] =	vst v63  }
0x8a: {  	_ =	swait.ge [sflag:s13], $0x1400  }
0x8b: {  	[sflag:s13] =	ssyncset.done $0x0  }
0x8c: {  	[sflag:s13] =	ssyncadd.s32 $0xFFFFEC00  }
0x8d: {  	_ =	swait.ge [sflag:s28], $0x1400  }
0x8e: {  	[sflag:s28] =	ssyncset.done $0x0  }
0x8f: {  	[sflag:s28] =	ssyncadd.s32 $0xFFFFEC00  }
0x90: {  	[spmem:s2] =	stream.indirect.scatter.add.f32 [tilespmem:s20], [sflag:$0x6], $0x40, s0, s16, $0xb8;
	[tilespmem:$0x14E60] =	vst v63  }
0x91: {  	_ =	swait.ge [sflag:s13], $0x1400  }
0x92: {  	[sflag:s13] =	ssyncset.done $0x0  }
0x93: {  	[sflag:s13] =	ssyncadd.s32 $0xFFFFEC00  }
0x94: {  	_ =	swait.ge [sflag:s29], $0x1400  }
0x95: {  	[sflag:s29] =	ssyncset.done $0x0  }
0x96: {  	[sflag:s29] =	ssyncadd.s32 $0xFFFFEC00  }
0x97: {  	[spmem:s2] =	stream.indirect.scatter.add.f32 [tilespmem:s22], [sflag:$0x6], $0x40, s15, s16, $0xb8;
	[tilespmem:$0x14E60] =	vst v63  }
0x98: {  	_ =	swait.ge [sflag:s13], $0x1400  }
0x99: {  	[sflag:s13] =	ssyncset.done $0x0  }
0x9a: {  	[sflag:s13] =	ssyncadd.s32 $0xFFFFEC00  }
0x9b: {  	_ =	swait.ge [sflag:s30], $0x1400  }
0x9c: {  	[sflag:s30] =	ssyncset.done $0x0  }
0x9d: {  	[sflag:s30] =	ssyncadd.s32 $0xFFFFEC00  }
0x9e: {  	[spmem:s2] =	stream.indirect.scatter.add.f32 [tilespmem:s24], [sflag:$0x6], $0x40, s19, s16, $0xb8;
	[tilespmem:$0x14E60] =	vst v63  }
0x9f: {  	_ =	swait.ge [sflag:s13], $0x1400  }
0xa0: {  	[sflag:s13] =	ssyncset.done $0x0  }
0xa1: {  	[sflag:s13] =	ssyncadd.s32 $0xFFFFEC00  }
0xa2: {  	[bflag:$0x0] =	sbarrier.arrive $0xFFFF  }
0xa3: {  	[hbm:s9], [sflag:s6] =	dma.local [spmem:s12], $0x1380  }
0xa4: {  	s21 =	sadd.s32 $0x1, s21;
	_ =	swait.ge [sflag:s13], $0x1380  }
0xa5: {  	p1 =	sne.s32 s21, s11;
	[sflag:s13] =	ssyncset.done $0x0  }
.Ltmp1:
0xa6: {  	s1 =	simm.s32 @!p0 $0x6;
	[sflag:s13] =	ssyncadd.s32 $0xFFFFEC80;
	(pc) =	sbr.rel @p1 .LBB2_1-.Ltmp1, $4  }
0xa7: {  	[hbm:s10], [sflag:s6] =	dma.local @!p0 [spmem:s14], $0x80  }
0xa8: {  	_ =	swait.ge @!p0 [sflag:s1], $0x80  }
0xa9: {  	[sflag:s1] =	ssyncset.done @!p0 $0x0  }
0xaa: {  	[sflag:s1] =	ssyncadd.s32 @!p0 $0xFFFFFF80  }
0xab: {  	_ =	sfence.sel $0x180000  }
0xac: {  	[bflag:$0x0] =	sbarrier.arrive $0xFFFF  }
0xad: {  	_ =	strace $0x9000004D  }
0xae: {  	s0 =	stileid.u32;
	[bflag:$0x2] =	sbarrier.arrive $0xFFFF  }
0xaf: {  	p0 =	sne.s32 s0, $0x0;
	s0 =	rddreg [dreg:$0x3]  }
0xb0: {  	s0 =	sadd.s32 @!p0 $0x100000, s0  }
0xb1: {  	[sflag:s0] =	ssyncadd.tile.s32 @!p0 $0x1;
	_ =	shalt  }
.Lfunc_end2:
_tile_overlayer_lowered:
.L_overlay_start_2:
0xb2: {  	(tag) =	ssettag $0x2  }
0xb3: {  	s0 =	rddreg [dreg:$0x0];
	s2 =	stileid.u32  }
0xb4: {  	s1 =	rddreg [dreg:$0x1];
	p0 =	sne.s32 s2, $0x0  }
0xb5: {  	s3 =	rddreg [dreg:$0x2];
	[bflag:$0x3] =	sbarrier.arrive $0xFFFF;
	s2 =	simm.s32 @!p0 $0x1C06  }
0xb6: {  	[timem:s3], [sflag:s2] =	dma.local @!p0 [hbm:s0], s1  }
0xb7: {  	s0 =	simm.s32 @!p0 $0x6  }
0xb8: {  	_ =	swait.ge @!p0 [sflag:s0], s1  }
0xb9: {  	s1 =	ssub.s32 @!p0 $0x0, s1;
	[sflag:s0] =	ssyncset.done @!p0 $0x0  }
0xba: {  	[sflag:s0] =	ssyncadd.s32 @!p0 s1  }
0xbb: {  	[bflag:$0x3] =	sbarrier.arrive $0xFFFF  }
0xbc: {  	_ =	shalt  }

// kernel: kernel.8.cloned.1.call-start
scs
__scs_entry_jumppad:
0x0: {  	(pc) =	sbr.rel $0x88, $3  }
0x1: {  	(tag) =	ssettag $0x0;
	lr =	simm.s32 $0x1  }
0x2: {  	[smem:$0x3F97] =	sst lr;
	_ =	strace $0xD0000000  }
0x3: {  	_ = 	snop  }
0x4: {  	_ = 	snop  }
0x5: {  	_ = 	snop  }
0x6: {  	_ = 	snop  }
0x7: {  	_ = 	snop  }
__scs_overlays_trampoline_lowered:
0x8: {  	[smem:$0x3FA6] =	sst s0  }
0x9: {  	[smem:$0x3FA7] =	sst s1  }
0xa: {  	[smem:$0x3FA8] =	sst s2  }
0xb: {  	[smem:$0x3FA9] =	sst s3  }
0xc: {  	[smem:$0x3FAA] =	sst s4  }
0xd: {  	[smem:$0x3FAB] =	sst s5  }
0xe: {  	[smem:$0x3FAC] =	sst s6  }
0xf: {  	[smem:$0x3FAD] =	sst s7  }
0x10: {  	[smem:$0x3FAE] =	sst s8  }
0x11: {  	[smem:$0x3FAF] =	sst s9;
	s0 =	simm.s32 @!p0 $0x0  }
0x12: {  	s1 =	sld [smem:$0x3F95];
	s0 =	simm.s32 @p0 $0x1  }
0x13: {  	[smem:$0x3FB0] =	sst s0;
	s0 =	simm.s32 @!p1 $0x0  }
0x14: {  	s2 =	sld [smem:$0x3F94];
	s0 =	simm.s32 @p1 $0x1  }
0x15: {  	[smem:$0x3FB1] =	sst s0;
	s0 =	simm.s32 @!p2 $0x0  }
0x16: {  	s3 =	sld [smem:$0x3FDB];
	s0 =	simm.s32 @p2 $0x1  }
0x17: {  	s4 =	simm.s32 $0x1BF5;
	[smem:$0x3FB3] =	sst s0  }
0x18: {  	s0 =	sld [smem:$0x3F96];
	_ =	swait.ge [sflag:s4], $0x0  }
0x19: {  	s7 =	sld [smem:$0x3F97]  }
0x1a: {  	s8 =	sadd.s32 $0xFFFFE003, lr  }
0x1b: {  	s9 =	sadd.s32 $0xFFFFFEF7, lr;
	s5 =	simm.s32 $0xFFFFFFFF;
	p2 =	slt.u32 s8, $0xFFFFF086  }
0x1c: {  	p1 =	slt.u32 s9, $0xF7A;
	s5 =	simm.s32 @!p2 $0x0  }
0x1d: {  	s5 =	simm.s32 @p1 $0x1;
	p0 =	seq.s32 s7, s2  }
0x1e: {  	s7 =	smul.u32 @!p0 $0xF7A, s2;
	p2 =	seq.s32 @!p0 s5, $0x0  }
0x1f: {  	s9 =	smul.u32 $0xF7A, s1;
	s8 =	simm.s32 @!p0 $0x1BF5;
	p2 =	por !p2, p0  }
0x20: {  	[sflag:s8] =	ssyncset.s32 @!p0 $0xFFFFF086;
	s6 =	sadd.s32 @!p0 s3, s7;
	s7 =	simm.s32 @!p0 $0x108  }
0x21: {  	s3 =	sadd.s32 s3, s9;
	s6 =	sadd.s32 @!p0 $0x88, s6;
	s7 =	simm.s32 @p2 $0x1082  }
0x22: {  	[simem:s7], [sflag:s8] =	dma.local @!p0 [hbm:s6], $0xF7A  }
0x23: {  	s9 =	sor.u32 $0xD0000000, s2;
	s6 =	simm.s32 $0x108;
	_ =	swait.ge @!p0 [sflag:s8], $0x0  }
0x24: {  	s3 =	sadd.s32 $0x88, s3;
	s6 =	simm.s32 @!p1 $0x1082;
	[sflag:s4] =	ssyncset.s32 $0xFFFFF086  }
0x25: {  	[simem:s6], [sflag:s4] =	dma.local [hbm:s3], $0xF7A  }
0x26: {  	[smem:$0x3F97] =	sst s1;
	(tag) =	ssettag s2;
	_ =	strace s9  }
0x27: {  	s1 =	sld [smem:$0x3FA7]  }
0x28: {  	s2 =	sld [smem:$0x3FA8]  }
0x29: {  	s4 =	sld [smem:$0x3FAA]  }
0x2a: {  	p0 =	seq.s32 s5, $0x0;
	s5 =	sld [smem:$0x3FAB]  }
0x2b: {  	s6 =	sld [smem:$0x3FAC]  }
0x2c: {  	s7 =	sld [smem:$0x3FAD]  }
0x2d: {  	s3 =	simm.s32 $0x108;
	s8 =	sld [smem:$0x3FAE]  }
0x2e: {  	s3 =	simm.s32 @!p0 $0x1082;
	s9 =	sld [smem:$0x3FAF]  }
0x2f: {  	lr =	sadd.s32 s0, s3;
	s0 =	sld [smem:$0x3FA6]  }
0x30: {  	s3 =	sld [smem:$0x3FA9]  }
0x31: {  	[smem:$0x3FB2] =	sst s10  }
0x32: {  	s10 =	sld [smem:$0x3FB0];
	_ =	sdelay $0x3  }
0x33: {  	p0 =	seq.s32 s10, $0x1;
	s10 =	sld [smem:$0x3FB2];
	_ =	sdelay $0x3  }
0x34: {  	[smem:$0x3FB2] =	sst s10  }
0x35: {  	s10 =	sld [smem:$0x3FB1];
	_ =	sdelay $0x3  }
0x36: {  	p1 =	seq.s32 s10, $0x1;
	s10 =	sld [smem:$0x3FB2];
	_ =	sdelay $0x3  }
0x37: {  	[smem:$0x3FB2] =	sst s10  }
0x38: {  	s10 =	sld [smem:$0x3FB3]  }
0x39: {  	_ = 	snop;
	(pc) =	sbr.ind lr, $3  }
0x3a: {  	_ = 	snop  }
0x3b: {  	_ = 	snop  }
0x3c: {  	p2 =	seq.s32 s10, $0x1;
	s10 =	sld [smem:$0x3FB2]  }
0x3d: {  	_ =	shalt  }
0x3e: {  	_ =	shalt  }
0x3f: {  	_ =	shalt  }
0x40: {  	_ =	shalt  }
0x41: {  	_ =	shalt  }
0x42: {  	_ =	shalt  }
0x43: {  	_ =	shalt  }
0x44: {  	_ =	shalt  }
0x45: {  	_ =	shalt  }
0x46: {  	_ =	shalt  }
0x47: {  	_ =	shalt  }
0x48: {  	_ =	shalt  }
0x49: {  	_ =	shalt  }
0x4a: {  	_ =	shalt  }
0x4b: {  	_ =	shalt  }
0x4c: {  	_ =	shalt  }
0x4d: {  	_ =	shalt  }
0x4e: {  	_ =	shalt  }
0x4f: {  	_ =	shalt  }
0x50: {  	_ =	shalt  }
0x51: {  	_ =	shalt  }
0x52: {  	_ =	shalt  }
0x53: {  	_ =	shalt  }
0x54: {  	_ =	shalt  }
0x55: {  	_ =	shalt  }
0x56: {  	_ =	shalt  }
0x57: {  	_ =	shalt  }
0x58: {  	_ =	shalt  }
0x59: {  	_ =	shalt  }
0x5a: {  	_ =	shalt  }
0x5b: {  	_ =	shalt  }
0x5c: {  	_ =	shalt  }
0x5d: {  	_ =	shalt  }
0x5e: {  	_ =	shalt  }
0x5f: {  	_ =	shalt  }
0x60: {  	_ =	shalt  }
0x61: {  	_ =	shalt  }
0x62: {  	_ =	shalt  }
0x63: {  	_ =	shalt  }
0x64: {  	_ =	shalt  }
0x65: {  	_ =	shalt  }
0x66: {  	_ =	shalt  }
0x67: {  	_ =	shalt  }
0x68: {  	_ =	shalt  }
0x69: {  	_ =	shalt  }
0x6a: {  	_ =	shalt  }
0x6b: {  	_ =	shalt  }
0x6c: {  	_ =	shalt  }
0x6d: {  	_ =	shalt  }
0x6e: {  	_ =	shalt  }
0x6f: {  	_ =	shalt  }
0x70: {  	_ =	shalt  }
0x71: {  	_ =	shalt  }
0x72: {  	_ =	shalt  }
0x73: {  	_ =	shalt  }
0x74: {  	_ =	shalt  }
0x75: {  	_ =	shalt  }
0x76: {  	_ =	shalt  }
0x77: {  	_ =	shalt  }
0x78: {  	_ =	shalt  }
0x79: {  	_ =	shalt  }
0x7a: {  	_ =	shalt  }
0x7b: {  	_ =	shalt  }
0x7c: {  	_ =	shalt  }
0x7d: {  	_ =	shalt  }
0x7e: {  	_ =	shalt  }
0x7f: {  	_ =	shalt  }
0x80: {  	_ =	shalt  }
0x81: {  	_ =	shalt  }
0x82: {  	_ =	shalt  }
0x83: {  	_ =	shalt  }
0x84: {  	_ =	shalt  }
0x85: {  	_ =	shalt  }
0x86: {  	_ =	shalt  }
0x87: {  	_ =	shalt  }
.Lfunc_end0:
.L_simem_size_0:
called_computation_lowered:
.L_overlay_start_0:
0x88: {  	s2 =	sld [smem:$0x3FD9]  }
0x89: {  	s3 =	sld [smem:$0x3FFE];
	_ =	sdelay $0x1  }
0x8a: {  	s1 =	srdreg.scid  }
0x8b: {  	s0 =	sand.u32 $0x1, s1  }
0x8c: {  	s17 =	sshll.u32 s0, $0xA;
	s2 =	sadd.s32 s3, s2  }
0x8d: {  	s2 =	sadd.s32 s2, s17  }
0x8e: {  	[smem:$0x3FBE] =	sst s2  }
0x8f: {  	_ = 	snop  }
0x90: {  	s2 =	sld [smem:$0x3FD0];
	(tm) =	ssettm $0x1  }
0x91: {  	s18 =	sld [smem:$0x3FFB];
	_ =	sdelay $0x3  }
0x92: {  	_ =	strace s18  }
0x93: {  	s3 =	sld [smem:$0x3FFC];
	_ =	sdelay $0x3  }
0x94: {  	_ =	strace s3  }
0x95: {  	s3 =	sld [smem:$0x3FFD];
	_ =	sdelay $0x3  }
0x96: {  	_ =	strace s3  }
0x97: {  	_ =	strace $0x8FFFFFFF  }
0x98: {  	s19 =	sld [smem:$0x3FDB];
	_ =	sdelay $0x1  }
0x99: {  	s4 =	simm.s32 $_scs_section_size  }
0x9a: {  	s5 =	simm.s32 $_size__tile_overlayer_lowered;
	s6 =	simm.s32 $_tile_overlayer_lowered  }
0x9b: {  	s22 =	simm.s32 $0x1BFF;
	s21 =	sshll.u32 s6, $0x1;
	s3 =	sadd.s32 s4, s19  }
0x9c: {  	s7 =	simm.s32 $0x0;
	s20 =	sshll.u32 s5, $0x1;
	s5 =	sadd.s32 s21, s3  }
0x9d: {  	[timem:s7], [sflag:s22] =	dma.local [hbm:s5], s20  }
0x9e: {  	_ =	swait.ge [sflag:s22], s20  }
0x9f: {  	s4 =	ssub.s32 $0x0, s20;
	[sflag:s22] =	ssyncset.done $0x0  }
0xa0: {  	[sflag:s22] =	ssyncadd.s32 s4;
	_ =	sdelay $0x1  }
0xa1: {  	s23 =	simm.s32 $0x1B8B  }
0xa2: {  	_ =	swait.ge [sflag:s23], $0x1  }
0xa3: {  	[sflag:s23] =	ssyncset.done $0x0  }
0xa4: {  	s25 =	simm.s32 $0x1B8E;
	s24 =	sld [smem:$0x3FFE];
	[sflag:s23] =	ssyncadd.s32 $0xFFFFFFFF  }
0xa5: {  	s26 =	simm.s32 $execute0_lowered;
	[smem:$0x3FD2] =	sst s25  }
0xa6: {  	s5 =	sshll.u32 s26, $0x1;
	_ =	strace $0x80000046;
	[dreg:$0x1] =	wrdreg $0xFFFFFFFF  }
0xa7: {  	s28 =	simm.s32 $_size_execute0_lowered;
	s3 =	sadd.s32 s3, s5;
	[dreg:$0x0] =	wrdreg $0x0  }
0xa8: {  	s5 =	sshll.u32 s28, $0x1;
	[dreg:$0x2] =	wrdreg s3  }
0xa9: {  	[dreg:$0x3] =	wrdreg s5  }
0xaa: {  	[dreg:$0x4] =	wrdreg $0xC0  }
0xab: {  	_ =	task [dreg:s7], $0x5FFFF  }
0xac: {  	[dreg:$0x1] =	wrdreg $0xFFFFFFFF  }
0xad: {  	[dreg:$0x0] =	wrdreg $0x60  }
0xae: {  	[dreg:$0x2] =	wrdreg s24  }
0xaf: {  	[dreg:$0x3] =	wrdreg s2  }
0xb0: {  	[dreg:$0x4] =	wrdreg $0x9  }
0xb1: {  	_ =	task.clear_ibuf [dreg:s7], $0x5FFFF;
	_ =	strace $0x90000046  }
0xb2: {  	s29 =	simm.s32 $0x9;
	_ =	strace $0x80000048  }
0xb3: {  	_ =	swait.ge [sflag:s29], $0x1  }
0xb4: {  	[sflag:s29] =	ssyncadd.s32 $0xFFFFFFFF  }
0xb5: {  	_ =	strace $0x90000048  }
0xb6: {  	_ =	sfence  }
0xb7: {  	s30 =	sld [smem:$0x0];
	_ =	sdelay $0x2  }
0xb8: {  	s31 =	sshll.u32 s1, $0xD;
	s1 =	sshrl.u32 s1, $0x2  }
0xb9: {  	s3 =	sand.u32 $0x4000, s31;
	s1 =	sadd.s32 s1, s30  }
0xba: {  	s0 =	sor.u32 s3, s0;
	s1 =	sshll.u32 s1, $0x11  }
0xbb: {  	s0 =	sor.u32 s1, s0  }
0xbc: {  	s0 =	sadd.s32 $0x8F2B, s0  }
0xbd: {  	[sflag:s0] =	ssyncadd.remote.s32 $0x1  }
0xbe: {  	_ =	sfence.sel $0xFFFF  }
0xbf: {  	[dreg:$0x0] =	wrdreg $0xFFFFFFFF;
	(pc) =	sbr.abs _section_cstart, $3  }
0xc0: {  	[dreg:$0x1] =	wrdreg $0xFFFFFFFF  }
0xc1: {  	_ =	task.clear_ibuf [dreg:s7], $0x2FFFF;
	_ =	strace $0x9FFFFFFF  }
0xc2: {  	(tm) =	ssettm $0x7FFFFFFF  }
0xc3: {  	_ =	shalt  }
tec
execute0_lowered:
.L_overlay_start_1:
0x0: {  	(tag) =	ssettag $0x1  }
0x1: {  	s0 =	srdreg.scid  }
0x2: {  	s3 =	sand.u32 $0x1, s0  }
0x3: {  	s4 =	rddreg [dreg:$0x0];
	s0 =	stileid.u32;
	s1 =	sshll.u32 s3, $0x4  }
0x4: {  	s5 =	rddreg [dreg:$0x1];
	s2 =	simm.s32 $0x0;
	s6 =	sor.u32 s0, s1  }
0x5: {  	[smem:$0x7FF] =	sst s2;
	s7 =	smul.u32 $0x2710, s6  }
0x6: {  	s3 =	ssub.s32 $0x2, s3;
	s1 =	rddreg [dreg:$0x2]  }
0x7: {  	s8 =	sshrl.u32 s3, $0x1;
	s6 =	smul.u32 $0x500, s6;
	s7 =	sshrl.u32 s7, $0x3  }
0x8: {  	_ =	strace $0x80000047;
	s8 =	ssub.s32 s3, s8;
	s31 =	sadd.s32 s4, s7  }
0x9: {  	s4 =	sadd.s32 s5, s6;
	s5 =	smax.u32 s8, $0x1;
	s6 =	simm.s32 $0x1  }
0xa: {  	v0 =	vimm.f32 $0.0e+00;
	v1 =	vimm.f32 $1.000000000e+00;
	s7 =	simm.s32 $0x2710;
	s8 =	simm.s32 $0x0;
	s3 =	sadd.s32 $0xC640, s31  }
.LBB2_1:
0xb: {  	s9 =	simm.s32 $0x40;
	s10 =	simm.s32 $0x0  }
.LBB2_2:
0xc: {  	p0 =	sne.s32 s9, $0x9FC0;
	[tilespmem:s10+$0x2710] =	vst v0;
	s10 =	smov.u32 s9;
	s9 =	sadd.s32 $0x40, s9  }
.Ltmp0:
0xd: {  	(pc) =	sbr.rel @p0 .LBB2_2-.Ltmp0, $2  }
0xe: {  	_ =	sdelay $0x2  }
0xf: {  	s10 =	sshra.s32 s10, $0x2  }
0x10: {  	[tilespmem:s10+$0x2710] =	vst v0;
	s9 =	simm.s32 $0x0  }
0x11: {  	[tilespmem:s9], [sflag:$0x1] =	stream.linear.gather [hbm4b:s3+s9], $0x2710, $0x38;
	[tilespmem:$0x4F10] =	vst v63  }
0x12: {  	_ =	swait.ge [sflag:s6], $0x2710  }
0x13: {  	[sflag:s6] =	ssyncset.done $0x0  }
0x14: {  	[sflag:s6] =	ssyncadd.s32 $0xFFFFD8F0  }
.LBB2_4:
0x15: {  	s10 =	sshra.s32 s9, $0x2  }
0x16: {  	v2 =	vld [tilespmem:s10+$0x0];
	_ =	sdelay $0x7  }
0x17: {  	[tilespmem:v2+s7+$0x0] =	vst.idx.add.f32.msk $0xffff, v1  }
0x18: {  	v2 =	vld [tilespmem:s10+$0x10];
	_ =	sdelay $0x7  }
0x19: {  	[tilespmem:v2+s7+$0x0] =	vst.idx.add.f32.msk $0xffff, v1  }
0x1a: {  	v2 =	vld [tilespmem:s10+$0x20];
	_ =	sdelay $0x7  }
0x1b: {  	[tilespmem:v2+s7+$0x0] =	vst.idx.add.f32.msk $0xffff, v1  }
0x1c: {  	v2 =	vld [tilespmem:s10+$0x30];
	_ =	sdelay $0x7  }
0x1d: {  	[tilespmem:v2+s7+$0x0] =	vst.idx.add.f32.msk $0xffff, v1  }
0x1e: {  	v2 =	vld [tilespmem:s10+$0x40];
	_ =	sdelay $0x2  }
0x1f: {  	p0 =	sne.s32 s9, $0x9B00  }
.Ltmp1:
0x20: {  	_ = 	snop;
	(pc) =	sbr.rel @p0 .LBB2_4-.Ltmp1, $2  }
0x21: {  	_ =	sdelay $0x2  }
0x22: {  	s9 =	sadd.s32 $0x140, s9;
	[tilespmem:v2+s7+$0x0] =	vst.idx.add.f32.msk $0xffff, v1  }
0x23: {  	s8 =	sadd.s32 $0x1, s8  }
0x24: {  	p0 =	sne.s32 s8, s5  }
.Ltmp2:
0x25: {  	_ = 	snop;
	(pc) =	sbr.rel @p0 .LBB2_1-.Ltmp2, $4  }
0x26: {  	[hbm4b:s4+s2] =	stream.linear.scatter [tilespmem:s7], [sflag:$0x1], $0x2800, $0x38;
	[tilespmem:$0x4F10] =	vst v63  }
0x27: {  	_ =	swait.ge [sflag:s6], $0x2800  }
0x28: {  	[sflag:s6] =	ssyncset.done $0x0  }
0x29: {  	[sflag:s6] =	ssyncadd.s32 $0xFFFFD800  }
0x2a: {  	_ =	sfence.sel $0x180000  }
0x2b: {  	[bflag:$0x0] =	sbarrier.arrive $0xFFFF  }
0x2c: {  	p0 =	sne.s32 s0, $0x0;
	_ =	strace $0x90000047  }
0x2d: {  	s0 =	sadd.s32 @!p0 $0x100000, s1;
	[bflag:$0x2] =	sbarrier.arrive $0xFFFF  }
0x2e: {  	[sflag:s0] =	ssyncadd.tile.s32 @!p0 $0x1;
	_ =	shalt  }
.Lfunc_end2:
_tile_overlayer_lowered:
.L_overlay_start_2:
0x2f: {  	(tag) =	ssettag $0x2  }
0x30: {  	s0 =	rddreg [dreg:$0x0];
	s2 =	stileid.u32  }
0x31: {  	s1 =	rddreg [dreg:$0x1];
	p0 =	sne.s32 s2, $0x0  }
0x32: {  	s3 =	rddreg [dreg:$0x2];
	[bflag:$0x3] =	sbarrier.arrive $0xFFFF;
	s2 =	simm.s32 @!p0 $0x1C01  }
0x33: {  	[timem:s3], [sflag:s2] =	dma.local @!p0 [hbm:s0], s1  }
0x34: {  	s0 =	simm.s32 @!p0 $0x1  }
0x35: {  	_ =	swait.ge @!p0 [sflag:s0], s1  }
0x36: {  	s1 =	ssub.s32 @!p0 $0x0, s1;
	[sflag:s0] =	ssyncset.done @!p0 $0x0  }
0x37: {  	[sflag:s0] =	ssyncadd.s32 @!p0 s1  }
0x38: {  	[bflag:$0x3] =	sbarrier.arrive $0xFFFF  }
0x39: {  	_ =	shalt  }

</sc_bundles>
